<compile_context>
chip_gen: v7x
topology: tpu7x:2x2x1
jax: 0.10.2.dev20260603
libtpu: 0.0.44.dev20260713+nightly
codegen_flags: <defaults>
</compile_context>

<pallas_src>
import functools

import jax
import jax.numpy as jnp
from jax import lax
from jax.experimental import pallas as pl
from jax.experimental.pallas import tpu as pltpu
from jax.experimental.pallas import tpu_sc as plsc

VOCAB = 1000
NS_TOK = 50
BATCH = 1024
NC, NS = 2, 16
VN = 256
NITEM = NS_TOK


@functools.partial(
    pl.kernel,
    out_type=jax.ShapeDtypeStruct((NS_TOK, VOCAB, BATCH), jnp.float32),
    mesh=plsc.VectorSubcoreMesh(
        core_axis_name="c", subcore_axis_name="s", num_cores=NC, num_subcores=NS
    ),
    scratch_types=[
        pltpu.VMEM((NS_TOK, 128), jnp.int32),
        pltpu.VMEM((VN, 128), jnp.float32),
        pltpu.VMEM((VN, 128), jnp.float32),
        pltpu.SemaphoreType.DMA,
        pltpu.SemaphoreType.DMA,
    ],
    compiler_params=pltpu.CompilerParams(
        needs_layout_passes=False,
        use_tc_tiling_on_sc=True,
        disable_bounds_checks=True,
        disable_semaphore_checks=True,
        skip_device_barrier=True,
    ),
)
def _one_hot_sc(tok_hbm, out_hbm, tok_v, buf0, buf1, sem0, sem1):
    wid = lax.axis_index("s") * NC + lax.axis_index("c")
    tb = wid >> 2
    c = wid & 3
    v0 = jnp.where(c == 3, VOCAB - VN, c * VN)
    bufs = (buf0, buf1)
    sems = (sem0, sem1)

    tok_copy = pltpu.async_copy(tok_hbm.at[:, pl.ds(tb * 128, 128)], tok_v, sem0)

    zeros = jnp.zeros((16,), jnp.float32)
    ones = jnp.ones((16,), jnp.float32)
    lane = lax.broadcasted_iota(jnp.int32, (16,), 0)

    def _memset(buf):
        def _rows(i, carry):
            for d in range(2):
                for k in range(8):
                    buf[i * 2 + d, pl.ds(k * 16, 16)] = zeros
            return carry

        lax.fori_loop(0, VN // 2, _rows, None)

    def _scatter(buf, s, vals):
        def _group(g, carry):
            tv = tok_v[s, pl.ds(g * 16, 16)]
            mask = (tv >= v0) & (tv < v0 + VN)
            plsc.store_scatter(buf, [tv - v0, lane + g * 16], vals, mask=mask)
            return carry

        lax.fori_loop(0, 8, _group, None)

    def _dma_out(b, s):
        dst = out_hbm.at[s, pl.ds(v0, VN), pl.ds(tb * 128, 128)]
        pltpu.async_copy(bufs[b], dst, sems[b])

    def _dma_wait(b, s):
        dst = out_hbm.at[s, pl.ds(v0, VN), pl.ds(tb * 128, 128)]
        pltpu.make_async_copy(bufs[b], dst, sems[b]).wait()

    _memset(bufs[0])
    tok_copy.wait()
    _scatter(bufs[0], jnp.int32(0), ones)
    _dma_out(0, jnp.int32(0))
    _memset(bufs[1])
    _scatter(bufs[1], jnp.int32(1), ones)
    _dma_out(1, jnp.int32(1))

    def _step(i, carry):
        for b in range(2):
            s = i * 2 + b
            _dma_wait(b, s - 2)
            _scatter(bufs[b], s - 2, zeros)
            _scatter(bufs[b], s, ones)
            _dma_out(b, s)
        return carry

    lax.fori_loop(1, NITEM // 2, _step, None)

    for b in range(2):
        _dma_wait(b, jnp.int32(NITEM - 2 + b))


def kernel(tokens):
    tok_t = jnp.swapaxes(tokens.astype(jnp.int32), 0, 1)
    out = _one_hot_sc(tok_t)
    return jnp.transpose(out, (2, 0, 1))

# --- scband reference (transcript-rebuilt; emitter-appended) ---
"""Pipeline reference for scband-label-encoder-11424613007467 (READ-ONLY COPY).

The authoritative reference and input builder live on the scoring server;
editing this copy changes nothing except your own understanding.
"""

import jax, jax.numpy as jnp
import numpy as np

VOCAB_SIZE = 1000

def setup_inputs(seed: int = 0) -> dict:
    key = jax.random.key(seed)
    tokens = jax.random.randint(key, (1024, 50), 0, VOCAB_SIZE, dtype=jnp.int64 if jax.config.jax_enable_x64 else jnp.int32)
    return {"tokens": tokens}

def reference(tokens) -> jnp.ndarray:
    # Faithful translation of F.one_hot(tokens.long(), num_classes=vocab_size).float()
    return jax.nn.one_hot(tokens.astype(jnp.int32), VOCAB_SIZE, dtype=jnp.float32)

if __name__ == "__main__":
    import jax
    _d = setup_inputs()
    print(jax.jit(kernel)(*tuple(_d.values())))

</pallas_src>

<mosaic_0001>
#map = affine_map<(d0, d1) -> (0, 0)>
#map1 = affine_map<(d0, d1) -> (0, 0, 0)>
module attributes {stable_mosaic.version = 14 : i64} {
  func.func @_one_hot_sc(%arg0: i32, %arg1: i32, %arg2: memref<50x1024xi32, #tpu.memory_space<hbm>>, %arg3: memref<50x1000x1024xf32, #tpu.memory_space<hbm>>, %arg4: memref<50x128xi32, #tpu.memory_space<vmem>>, %arg5: memref<256x128xf32, #tpu.memory_space<vmem>>, %arg6: memref<256x128xf32, #tpu.memory_space<vmem>>, %arg7: memref<!tpu.dma_semaphore, #tpu.memory_space<semaphore_mem>>, %arg8: memref<!tpu.dma_semaphore, #tpu.memory_space<semaphore_mem>>) attributes {dimension_semantics = [#tpu.dimension_semantics<core_parallel>, #tpu.dimension_semantics<subcore_parallel>], iteration_bounds = array<i64: 2, 16>, scalar_prefetch = 0 : i64, scratch_operands = 5 : i64, tpu.core_type = #tpu.core_type<sc_vector_subcore>, window_params = [{transform_indices = #map}, {transform_indices = #map1}]} {
    %mul3A = arith.constant 2 : i32
    %mul3A_0 = arith.muli %arg1, %mul3A : i32
    %add3A = arith.addi %mul3A_0, %arg0 : i32
    %shift_right_arithmetic3A = arith.constant 2 : i32
    %shift_right_arithmetic3A_1 = arith.shrsi %add3A, %shift_right_arithmetic3A : i32
    %and3A = arith.constant 3 : i32
    %and3A_2 = arith.andi %add3A, %and3A : i32
    %eq3A = arith.constant 3 : i32
    %eq3A_3 = arith.cmpi eq, %and3A_2, %eq3A : i32
    %mul3A_4 = arith.constant 256 : i32
    %mul3A_5 = arith.muli %and3A_2, %mul3A_4 : i32
    %jit3A = arith.constant 744 : i32
    %select_n3A = arith.select %eq3A_3, %jit3A, %mul3A_5 : i32
    %mul3A_6 = arith.constant 128 : i32
    %mul3A_7 = arith.muli %shift_right_arithmetic3A_1, %mul3A_6 : i32
    %dma_start3A = arith.constant 0 : i32
    %dma_start3A_8 = tpu.memref_slice %arg2[%dma_start3A, %mul3A_7] : memref<50x1024xi32, #tpu.memory_space<hbm>> -> memref<50x128xi32, #tpu.memory_space<hbm>>
    %dma_start3A_9 = arith.constant 0 : i32
    %dma_start3A_10 = tpu.memref_slice %arg2[%dma_start3A_9, %mul3A_7] : memref<50x1024xi32, #tpu.memory_space<hbm>> -> memref<50x128xi32, #tpu.memory_space<hbm>>
    tpu.enqueue_dma source(%dma_start3A_10 : memref<50x128xi32, #tpu.memory_space<hbm>>) target(%arg4 : memref<50x128xi32, #tpu.memory_space<vmem>>) target_semaphore(%arg7 : memref<!tpu.dma_semaphore, #tpu.memory_space<semaphore_mem>>)
    %broadcast_in_dim3A = arith.constant 0.000000e+00 : f32
    %broadcast_in_dim3A_11 = vector.broadcast %broadcast_in_dim3A : f32 to vector<16xf32>
    %broadcast_in_dim3A_12 = arith.constant 1.000000e+00 : f32
    %broadcast_in_dim3A_13 = vector.broadcast %broadcast_in_dim3A_12 : f32 to vector<16xf32>
    %iota3A = tpu.iota {dimensions = array<i32: 0>} : vector<16xi32>
    %scan3A = arith.constant 0 : i32
    %scan3A_14 = arith.constant 128 : i32
    %scan3A_15 = arith.addi %scan3A, %scan3A_14 : i32
    %scan3A_16 = arith.constant 1 : i32
    scf.for %scan3A_71 = %scan3A to %scan3A_15 step %scan3A_16  : i32 {
      %mul3A_72 = arith.constant 2 : i32
      %mul3A_73 = arith.muli %scan3A_71, %mul3A_72 : i32
      %add3A_74 = arith.constant 0 : i32
      %add3A_75 = arith.addi %mul3A_73, %add3A_74 : i32
      %swap3A = arith.index_cast %add3A_75 : i32 to index
      %swap3A_76 = arith.constant 0 : index
      %swap3A_77 = tpu.vector_load %arg5[%swap3A, %swap3A_76] {strides = array<i32>} : memref<256x128xf32, #tpu.memory_space<vmem>>, vector<16xf32>,
      tpu.vector_store %arg5[%swap3A, %swap3A_76], %broadcast_in_dim3A_11 {strides = array<i32>} : memref<256x128xf32, #tpu.memory_space<vmem>>, vector<16xf32>,
      %mul3A_78 = arith.constant 2 : i32
      %mul3A_79 = arith.muli %scan3A_71, %mul3A_78 : i32
      %add3A_80 = arith.constant 0 : i32
      %add3A_81 = arith.addi %mul3A_79, %add3A_80 : i32
      %swap3A_82 = arith.index_cast %add3A_81 : i32 to index
      %swap3A_83 = arith.constant 16 : index
      %swap3A_84 = tpu.vector_load %arg5[%swap3A_82, %swap3A_83] {strides = array<i32>} : memref<256x128xf32, #tpu.memory_space<vmem>>, vector<16xf32>,
      tpu.vector_store %arg5[%swap3A_82, %swap3A_83], %broadcast_in_dim3A_11 {strides = array<i32>} : memref<256x128xf32, #tpu.memory_space<vmem>>, vector<16xf32>,
      %mul3A_85 = arith.constant 2 : i32
      %mul3A_86 = arith.muli %scan3A_71, %mul3A_85 : i32
      %add3A_87 = arith.constant 0 : i32
      %add3A_88 = arith.addi %mul3A_86, %add3A_87 : i32
      %swap3A_89 = arith.index_cast %add3A_88 : i32 to index
      %swap3A_90 = arith.constant 32 : index
      %swap3A_91 = tpu.vector_load %arg5[%swap3A_89, %swap3A_90] {strides = array<i32>} : memref<256x128xf32, #tpu.memory_space<vmem>>, vector<16xf32>,
      tpu.vector_store %arg5[%swap3A_89, %swap3A_90], %broadcast_in_dim3A_11 {strides = array<i32>} : memref<256x128xf32, #tpu.memory_space<vmem>>, vector<16xf32>,
      %mul3A_92 = arith.constant 2 : i32
      %mul3A_93 = arith.muli %scan3A_71, %mul3A_92 : i32
      %add3A_94 = arith.constant 0 : i32
      %add3A_95 = arith.addi %mul3A_93, %add3A_94 : i32
      %swap3A_96 = arith.index_cast %add3A_95 : i32 to index
      %swap3A_97 = arith.constant 48 : index
      %swap3A_98 = tpu.vector_load %arg5[%swap3A_96, %swap3A_97] {strides = array<i32>} : memref<256x128xf32, #tpu.memory_space<vmem>>, vector<16xf32>,
      tpu.vector_store %arg5[%swap3A_96, %swap3A_97], %broadcast_in_dim3A_11 {strides = array<i32>} : memref<256x128xf32, #tpu.memory_space<vmem>>, vector<16xf32>,
      %mul3A_99 = arith.constant 2 : i32
      %mul3A_100 = arith.muli %scan3A_71, %mul3A_99 : i32
      %add3A_101 = arith.constant 0 : i32
      %add3A_102 = arith.addi %mul3A_100, %add3A_101 : i32
      %swap3A_103 = arith.index_cast %add3A_102 : i32 to index
      %swap3A_104 = arith.constant 64 : index
      %swap3A_105 = tpu.vector_load %arg5[%swap3A_103, %swap3A_104] {strides = array<i32>} : memref<256x128xf32, #tpu.memory_space<vmem>>, vector<16xf32>,
      tpu.vector_store %arg5[%swap3A_103, %swap3A_104], %broadcast_in_dim3A_11 {strides = array<i32>} : memref<256x128xf32, #tpu.memory_space<vmem>>, vector<16xf32>,
      %mul3A_106 = arith.constant 2 : i32
      %mul3A_107 = arith.muli %scan3A_71, %mul3A_106 : i32
      %add3A_108 = arith.constant 0 : i32
      %add3A_109 = arith.addi %mul3A_107, %add3A_108 : i32
      %swap3A_110 = arith.index_cast %add3A_109 : i32 to index
      %swap3A_111 = arith.constant 80 : index
      %swap3A_112 = tpu.vector_load %arg5[%swap3A_110, %swap3A_111] {strides = array<i32>} : memref<256x128xf32, #tpu.memory_space<vmem>>, vector<16xf32>,
      tpu.vector_store %arg5[%swap3A_110, %swap3A_111], %broadcast_in_dim3A_11 {strides = array<i32>} : memref<256x128xf32, #tpu.memory_space<vmem>>, vector<16xf32>,
      %mul3A_113 = arith.constant 2 : i32
      %mul3A_114 = arith.muli %scan3A_71, %mul3A_113 : i32
      %add3A_115 = arith.constant 0 : i32
      %add3A_116 = arith.addi %mul3A_114, %add3A_115 : i32
      %swap3A_117 = arith.index_cast %add3A_116 : i32 to index
      %swap3A_118 = arith.constant 96 : index
      %swap3A_119 = tpu.vector_load %arg5[%swap3A_117, %swap3A_118] {strides = array<i32>} : memref<256x128xf32, #tpu.memory_space<vmem>>, vector<16xf32>,
      tpu.vector_store %arg5[%swap3A_117, %swap3A_118], %broadcast_in_dim3A_11 {strides = array<i32>} : memref<256x128xf32, #tpu.memory_space<vmem>>, vector<16xf32>,
      %mul3A_120 = arith.constant 2 : i32
      %mul3A_121 = arith.muli %scan3A_71, %mul3A_120 : i32
      %add3A_122 = arith.constant 0 : i32
      %add3A_123 = arith.addi %mul3A_121, %add3A_122 : i32
      %swap3A_124 = arith.index_cast %add3A_123 : i32 to index
      %swap3A_125 = arith.constant 112 : index
      %swap3A_126 = tpu.vector_load %arg5[%swap3A_124, %swap3A_125] {strides = array<i32>} : memref<256x128xf32, #tpu.memory_space<vmem>>, vector<16xf32>,
      tpu.vector_store %arg5[%swap3A_124, %swap3A_125], %broadcast_in_dim3A_11 {strides = array<i32>} : memref<256x128xf32, #tpu.memory_space<vmem>>, vector<16xf32>,
      %mul3A_127 = arith.constant 2 : i32
      %mul3A_128 = arith.muli %scan3A_71, %mul3A_127 : i32
      %add3A_129 = arith.constant 1 : i32
      %add3A_130 = arith.addi %mul3A_128, %add3A_129 : i32
      %swap3A_131 = arith.index_cast %add3A_130 : i32 to index
      %swap3A_132 = arith.constant 0 : index
      %swap3A_133 = tpu.vector_load %arg5[%swap3A_131, %swap3A_132] {strides = array<i32>} : memref<256x128xf32, #tpu.memory_space<vmem>>, vector<16xf32>,
      tpu.vector_store %arg5[%swap3A_131, %swap3A_132], %broadcast_in_dim3A_11 {strides = array<i32>} : memref<256x128xf32, #tpu.memory_space<vmem>>, vector<16xf32>,
      %mul3A_134 = arith.constant 2 : i32
      %mul3A_135 = arith.muli %scan3A_71, %mul3A_134 : i32
      %add3A_136 = arith.constant 1 : i32
      %add3A_137 = arith.addi %mul3A_135, %add3A_136 : i32
      %swap3A_138 = arith.index_cast %add3A_137 : i32 to index
      %swap3A_139 = arith.constant 16 : index
      %swap3A_140 = tpu.vector_load %arg5[%swap3A_138, %swap3A_139] {strides = array<i32>} : memref<256x128xf32, #tpu.memory_space<vmem>>, vector<16xf32>,
      tpu.vector_store %arg5[%swap3A_138, %swap3A_139], %broadcast_in_dim3A_11 {strides = array<i32>} : memref<256x128xf32, #tpu.memory_space<vmem>>, vector<16xf32>,
      %mul3A_141 = arith.constant 2 : i32
      %mul3A_142 = arith.muli %scan3A_71, %mul3A_141 : i32
      %add3A_143 = arith.constant 1 : i32
      %add3A_144 = arith.addi %mul3A_142, %add3A_143 : i32
      %swap3A_145 = arith.index_cast %add3A_144 : i32 to index
      %swap3A_146 = arith.constant 32 : index
      %swap3A_147 = tpu.vector_load %arg5[%swap3A_145, %swap3A_146] {strides = array<i32>} : memref<256x128xf32, #tpu.memory_space<vmem>>, vector<16xf32>,
      tpu.vector_store %arg5[%swap3A_145, %swap3A_146], %broadcast_in_dim3A_11 {strides = array<i32>} : memref<256x128xf32, #tpu.memory_space<vmem>>, vector<16xf32>,
      %mul3A_148 = arith.constant 2 : i32
      %mul3A_149 = arith.muli %scan3A_71, %mul3A_148 : i32
      %add3A_150 = arith.constant 1 : i32
      %add3A_151 = arith.addi %mul3A_149, %add3A_150 : i32
      %swap3A_152 = arith.index_cast %add3A_151 : i32 to index
      %swap3A_153 = arith.constant 48 : index
      %swap3A_154 = tpu.vector_load %arg5[%swap3A_152, %swap3A_153] {strides = array<i32>} : memref<256x128xf32, #tpu.memory_space<vmem>>, vector<16xf32>,
      tpu.vector_store %arg5[%swap3A_152, %swap3A_153], %broadcast_in_dim3A_11 {strides = array<i32>} : memref<256x128xf32, #tpu.memory_space<vmem>>, vector<16xf32>,
      %mul3A_155 = arith.constant 2 : i32
      %mul3A_156 = arith.muli %scan3A_71, %mul3A_155 : i32
      %add3A_157 = arith.constant 1 : i32
      %add3A_158 = arith.addi %mul3A_156, %add3A_157 : i32
      %swap3A_159 = arith.index_cast %add3A_158 : i32 to index
      %swap3A_160 = arith.constant 64 : index
      %swap3A_161 = tpu.vector_load %arg5[%swap3A_159, %swap3A_160] {strides = array<i32>} : memref<256x128xf32, #tpu.memory_space<vmem>>, vector<16xf32>,
      tpu.vector_store %arg5[%swap3A_159, %swap3A_160], %broadcast_in_dim3A_11 {strides = array<i32>} : memref<256x128xf32, #tpu.memory_space<vmem>>, vector<16xf32>,
      %mul3A_162 = arith.constant 2 : i32
      %mul3A_163 = arith.muli %scan3A_71, %mul3A_162 : i32
      %add3A_164 = arith.constant 1 : i32
      %add3A_165 = arith.addi %mul3A_163, %add3A_164 : i32
      %swap3A_166 = arith.index_cast %add3A_165 : i32 to index
      %swap3A_167 = arith.constant 80 : index
      %swap3A_168 = tpu.vector_load %arg5[%swap3A_166, %swap3A_167] {strides = array<i32>} : memref<256x128xf32, #tpu.memory_space<vmem>>, vector<16xf32>,
      tpu.vector_store %arg5[%swap3A_166, %swap3A_167], %broadcast_in_dim3A_11 {strides = array<i32>} : memref<256x128xf32, #tpu.memory_space<vmem>>, vector<16xf32>,
      %mul3A_169 = arith.constant 2 : i32
      %mul3A_170 = arith.muli %scan3A_71, %mul3A_169 : i32
      %add3A_171 = arith.constant 1 : i32
      %add3A_172 = arith.addi %mul3A_170, %add3A_171 : i32
      %swap3A_173 = arith.index_cast %add3A_172 : i32 to index
      %swap3A_174 = arith.constant 96 : index
      %swap3A_175 = tpu.vector_load %arg5[%swap3A_173, %swap3A_174] {strides = array<i32>} : memref<256x128xf32, #tpu.memory_space<vmem>>, vector<16xf32>,
      tpu.vector_store %arg5[%swap3A_173, %swap3A_174], %broadcast_in_dim3A_11 {strides = array<i32>} : memref<256x128xf32, #tpu.memory_space<vmem>>, vector<16xf32>,
      %mul3A_176 = arith.constant 2 : i32
      %mul3A_177 = arith.muli %scan3A_71, %mul3A_176 : i32
      %add3A_178 = arith.constant 1 : i32
      %add3A_179 = arith.addi %mul3A_177, %add3A_178 : i32
      %swap3A_180 = arith.index_cast %add3A_179 : i32 to index
      %swap3A_181 = arith.constant 112 : index
      %swap3A_182 = tpu.vector_load %arg5[%swap3A_180, %swap3A_181] {strides = array<i32>} : memref<256x128xf32, #tpu.memory_space<vmem>>, vector<16xf32>,
      tpu.vector_store %arg5[%swap3A_180, %swap3A_181], %broadcast_in_dim3A_11 {strides = array<i32>} : memref<256x128xf32, #tpu.memory_space<vmem>>, vector<16xf32>,
    }
    %scan3A_17 = arith.constant 128 : i32
    %dma_wait3A = arith.constant 0 : i32
    %dma_wait3A_18 = tpu.memref_slice %arg2[%dma_wait3A, %mul3A_7] : memref<50x1024xi32, #tpu.memory_space<hbm>> -> memref<50x128xi32, #tpu.memory_space<hbm>>
    %dma_wait3A_19 = arith.constant 0 : i32
    %dma_wait3A_20 = tpu.memref_slice %arg2[%dma_wait3A_19, %mul3A_7] : memref<50x1024xi32, #tpu.memory_space<hbm>> -> memref<50x128xi32, #tpu.memory_space<hbm>>
    tpu.wait_dma2 semaphore(%arg7 : memref<!tpu.dma_semaphore, #tpu.memory_space<semaphore_mem>>) src(%dma_wait3A_20 : memref<50x128xi32, #tpu.memory_space<hbm>>) dst(%arg4 : memref<50x128xi32, #tpu.memory_space<vmem>>)
    %scan3A_21 = arith.constant 0 : i32
    %scan3A_22 = arith.constant 0 : i32
    %scan3A_23 = arith.constant 8 : i32
    %scan3A_24 = arith.addi %scan3A_22, %scan3A_23 : i32
    %scan3A_25 = arith.constant 1 : i32
    scf.for %scan3A_71 = %scan3A_22 to %scan3A_24 step %scan3A_25  : i32 {
      %mul3A_72 = arith.constant 16 : i32
      %mul3A_73 = arith.muli %scan3A_71, %mul3A_72 : i32
      %get3A = arith.index_cast %scan3A_21 : i32 to index
      %get3A_74 = arith.index_cast %mul3A_73 : i32 to index
      %get3A_75 = tpu.vector_load %arg4[%get3A, %get3A_74] {strides = array<i32>} : memref<50x128xi32, #tpu.memory_space<vmem>>, vector<16xi32>,
      %ge3A = vector.broadcast %select_n3A : i32 to vector<16xi32>
      %ge3A_76 = arith.cmpi sge, %get3A_75, %ge3A : vector<16xi32>
      %add3A_77 = arith.constant 256 : i32
      %add3A_78 = arith.addi %select_n3A, %add3A_77 : i32
      %lt3A = vector.broadcast %add3A_78 : i32 to vector<16xi32>
      %lt3A_79 = arith.cmpi slt, %get3A_75, %lt3A : vector<16xi32>
      %and3A_80 = arith.andi %ge3A_76, %lt3A_79 : vector<16xi1>
      %sub3A = vector.broadcast %select_n3A : i32 to vector<16xi32>
      %sub3A_81 = arith.subi %get3A_75, %sub3A : vector<16xi32>
      %mul3A_82 = arith.constant 16 : i32
      %mul3A_83 = arith.muli %scan3A_71, %mul3A_82 : i32
      %add3A_84 = vector.broadcast %mul3A_83 : i32 to vector<16xi32>
      %add3A_85 = arith.addi %iota3A, %add3A_84 : vector<16xi32>
      tpu.vector_store_idx %arg5[%sub3A_81, %add3A_85], %broadcast_in_dim3A_13 masked %and3A_80 : memref<256x128xf32, #tpu.memory_space<vmem>>[vector<16xi32>, vector<16xi32>], vector<16xf32>, vector<16xi1>
    }
    %scan3A_26 = arith.constant 8 : i32
    %mul3A_27 = arith.constant 128 : i32
    %mul3A_28 = arith.muli %shift_right_arithmetic3A_1, %mul3A_27 : i32
    %dma_start3A_29 = arith.constant 0 : i32
    %dma_start3A_30 = tpu.memref_slice %arg3[%dma_start3A_29, %select_n3A, %mul3A_28] : memref<50x1000x1024xf32, #tpu.memory_space<hbm>> -> memref<1x256x128xf32, #tpu.memory_space<hbm>>
    %dma_start3A_31 = tpu.memref_squeeze %dma_start3A_30 : memref<1x256x128xf32, #tpu.memory_space<hbm>> -> memref<256x128xf32, #tpu.memory_space<hbm>>
    %dma_start3A_32 = tpu.memref_slice %arg3[%dma_start3A_29, %select_n3A, %mul3A_28] : memref<50x1000x1024xf32, #tpu.memory_space<hbm>> -> memref<1x256x128xf32, #tpu.memory_space<hbm>>
    %dma_start3A_33 = tpu.memref_squeeze %dma_start3A_32 : memref<1x256x128xf32, #tpu.memory_space<hbm>> -> memref<256x128xf32, #tpu.memory_space<hbm>>
    tpu.enqueue_dma source(%arg5 : memref<256x128xf32, #tpu.memory_space<vmem>>) target(%dma_start3A_33 : memref<256x128xf32, #tpu.memory_space<hbm>>) target_semaphore(%arg7 : memref<!tpu.dma_semaphore, #tpu.memory_space<semaphore_mem>>)
    %scan3A_34 = arith.constant 0 : i32
    %scan3A_35 = arith.constant 128 : i32
    %scan3A_36 = arith.addi %scan3A_34, %scan3A_35 : i32
    %scan3A_37 = arith.constant 1 : i32
    scf.for %scan3A_71 = %scan3A_34 to %scan3A_36 step %scan3A_37  : i32 {
      %mul3A_72 = arith.constant 2 : i32
      %mul3A_73 = arith.muli %scan3A_71, %mul3A_72 : i32
      %add3A_74 = arith.constant 0 : i32
      %add3A_75 = arith.addi %mul3A_73, %add3A_74 : i32
      %swap3A = arith.index_cast %add3A_75 : i32 to index
      %swap3A_76 = arith.constant 0 : index
      %swap3A_77 = tpu.vector_load %arg6[%swap3A, %swap3A_76] {strides = array<i32>} : memref<256x128xf32, #tpu.memory_space<vmem>>, vector<16xf32>,
      tpu.vector_store %arg6[%swap3A, %swap3A_76], %broadcast_in_dim3A_11 {strides = array<i32>} : memref<256x128xf32, #tpu.memory_space<vmem>>, vector<16xf32>,
      %mul3A_78 = arith.constant 2 : i32
      %mul3A_79 = arith.muli %scan3A_71, %mul3A_78 : i32
      %add3A_80 = arith.constant 0 : i32
      %add3A_81 = arith.addi %mul3A_79, %add3A_80 : i32
      %swap3A_82 = arith.index_cast %add3A_81 : i32 to index
      %swap3A_83 = arith.constant 16 : index
      %swap3A_84 = tpu.vector_load %arg6[%swap3A_82, %swap3A_83] {strides = array<i32>} : memref<256x128xf32, #tpu.memory_space<vmem>>, vector<16xf32>,
      tpu.vector_store %arg6[%swap3A_82, %swap3A_83], %broadcast_in_dim3A_11 {strides = array<i32>} : memref<256x128xf32, #tpu.memory_space<vmem>>, vector<16xf32>,
      %mul3A_85 = arith.constant 2 : i32
      %mul3A_86 = arith.muli %scan3A_71, %mul3A_85 : i32
      %add3A_87 = arith.constant 0 : i32
      %add3A_88 = arith.addi %mul3A_86, %add3A_87 : i32
      %swap3A_89 = arith.index_cast %add3A_88 : i32 to index
      %swap3A_90 = arith.constant 32 : index
      %swap3A_91 = tpu.vector_load %arg6[%swap3A_89, %swap3A_90] {strides = array<i32>} : memref<256x128xf32, #tpu.memory_space<vmem>>, vector<16xf32>,
      tpu.vector_store %arg6[%swap3A_89, %swap3A_90], %broadcast_in_dim3A_11 {strides = array<i32>} : memref<256x128xf32, #tpu.memory_space<vmem>>, vector<16xf32>,
      %mul3A_92 = arith.constant 2 : i32
      %mul3A_93 = arith.muli %scan3A_71, %mul3A_92 : i32
      %add3A_94 = arith.constant 0 : i32
      %add3A_95 = arith.addi %mul3A_93, %add3A_94 : i32
      %swap3A_96 = arith.index_cast %add3A_95 : i32 to index
      %swap3A_97 = arith.constant 48 : index
      %swap3A_98 = tpu.vector_load %arg6[%swap3A_96, %swap3A_97] {strides = array<i32>} : memref<256x128xf32, #tpu.memory_space<vmem>>, vector<16xf32>,
      tpu.vector_store %arg6[%swap3A_96, %swap3A_97], %broadcast_in_dim3A_11 {strides = array<i32>} : memref<256x128xf32, #tpu.memory_space<vmem>>, vector<16xf32>,
      %mul3A_99 = arith.constant 2 : i32
      %mul3A_100 = arith.muli %scan3A_71, %mul3A_99 : i32
      %add3A_101 = arith.constant 0 : i32
      %add3A_102 = arith.addi %mul3A_100, %add3A_101 : i32
      %swap3A_103 = arith.index_cast %add3A_102 : i32 to index
      %swap3A_104 = arith.constant 64 : index
      %swap3A_105 = tpu.vector_load %arg6[%swap3A_103, %swap3A_104] {strides = array<i32>} : memref<256x128xf32, #tpu.memory_space<vmem>>, vector<16xf32>,
      tpu.vector_store %arg6[%swap3A_103, %swap3A_104], %broadcast_in_dim3A_11 {strides = array<i32>} : memref<256x128xf32, #tpu.memory_space<vmem>>, vector<16xf32>,
      %mul3A_106 = arith.constant 2 : i32
      %mul3A_107 = arith.muli %scan3A_71, %mul3A_106 : i32
      %add3A_108 = arith.constant 0 : i32
      %add3A_109 = arith.addi %mul3A_107, %add3A_108 : i32
      %swap3A_110 = arith.index_cast %add3A_109 : i32 to index
      %swap3A_111 = arith.constant 80 : index
      %swap3A_112 = tpu.vector_load %arg6[%swap3A_110, %swap3A_111] {strides = array<i32>} : memref<256x128xf32, #tpu.memory_space<vmem>>, vector<16xf32>,
      tpu.vector_store %arg6[%swap3A_110, %swap3A_111], %broadcast_in_dim3A_11 {strides = array<i32>} : memref<256x128xf32, #tpu.memory_space<vmem>>, vector<16xf32>,
      %mul3A_113 = arith.constant 2 : i32
      %mul3A_114 = arith.muli %scan3A_71, %mul3A_113 : i32
      %add3A_115 = arith.constant 0 : i32
      %add3A_116 = arith.addi %mul3A_114, %add3A_115 : i32
      %swap3A_117 = arith.index_cast %add3A_116 : i32 to index
      %swap3A_118 = arith.constant 96 : index
      %swap3A_119 = tpu.vector_load %arg6[%swap3A_117, %swap3A_118] {strides = array<i32>} : memref<256x128xf32, #tpu.memory_space<vmem>>, vector<16xf32>,
      tpu.vector_store %arg6[%swap3A_117, %swap3A_118], %broadcast_in_dim3A_11 {strides = array<i32>} : memref<256x128xf32, #tpu.memory_space<vmem>>, vector<16xf32>,
      %mul3A_120 = arith.constant 2 : i32
      %mul3A_121 = arith.muli %scan3A_71, %mul3A_120 : i32
      %add3A_122 = arith.constant 0 : i32
      %add3A_123 = arith.addi %mul3A_121, %add3A_122 : i32
      %swap3A_124 = arith.index_cast %add3A_123 : i32 to index
      %swap3A_125 = arith.constant 112 : index
      %swap3A_126 = tpu.vector_load %arg6[%swap3A_124, %swap3A_125] {strides = array<i32>} : memref<256x128xf32, #tpu.memory_space<vmem>>, vector<16xf32>,
      tpu.vector_store %arg6[%swap3A_124, %swap3A_125], %broadcast_in_dim3A_11 {strides = array<i32>} : memref<256x128xf32, #tpu.memory_space<vmem>>, vector<16xf32>,
      %mul3A_127 = arith.constant 2 : i32
      %mul3A_128 = arith.muli %scan3A_71, %mul3A_127 : i32
      %add3A_129 = arith.constant 1 : i32
      %add3A_130 = arith.addi %mul3A_128, %add3A_129 : i32
      %swap3A_131 = arith.index_cast %add3A_130 : i32 to index
      %swap3A_132 = arith.constant 0 : index
      %swap3A_133 = tpu.vector_load %arg6[%swap3A_131, %swap3A_132] {strides = array<i32>} : memref<256x128xf32, #tpu.memory_space<vmem>>, vector<16xf32>,
      tpu.vector_store %arg6[%swap3A_131, %swap3A_132], %broadcast_in_dim3A_11 {strides = array<i32>} : memref<256x128xf32, #tpu.memory_space<vmem>>, vector<16xf32>,
      %mul3A_134 = arith.constant 2 : i32
      %mul3A_135 = arith.muli %scan3A_71, %mul3A_134 : i32
      %add3A_136 = arith.constant 1 : i32
      %add3A_137 = arith.addi %mul3A_135, %add3A_136 : i32
      %swap3A_138 = arith.index_cast %add3A_137 : i32 to index
      %swap3A_139 = arith.constant 16 : index
      %swap3A_140 = tpu.vector_load %arg6[%swap3A_138, %swap3A_139] {strides = array<i32>} : memref<256x128xf32, #tpu.memory_space<vmem>>, vector<16xf32>,
      tpu.vector_store %arg6[%swap3A_138, %swap3A_139], %broadcast_in_dim3A_11 {strides = array<i32>} : memref<256x128xf32, #tpu.memory_space<vmem>>, vector<16xf32>,
      %mul3A_141 = arith.constant 2 : i32
      %mul3A_142 = arith.muli %scan3A_71, %mul3A_141 : i32
      %add3A_143 = arith.constant 1 : i32
      %add3A_144 = arith.addi %mul3A_142, %add3A_143 : i32
      %swap3A_145 = arith.index_cast %add3A_144 : i32 to index
      %swap3A_146 = arith.constant 32 : index
      %swap3A_147 = tpu.vector_load %arg6[%swap3A_145, %swap3A_146] {strides = array<i32>} : memref<256x128xf32, #tpu.memory_space<vmem>>, vector<16xf32>,
      tpu.vector_store %arg6[%swap3A_145, %swap3A_146], %broadcast_in_dim3A_11 {strides = array<i32>} : memref<256x128xf32, #tpu.memory_space<vmem>>, vector<16xf32>,
      %mul3A_148 = arith.constant 2 : i32
      %mul3A_149 = arith.muli %scan3A_71, %mul3A_148 : i32
      %add3A_150 = arith.constant 1 : i32
      %add3A_151 = arith.addi %mul3A_149, %add3A_150 : i32
      %swap3A_152 = arith.index_cast %add3A_151 : i32 to index
      %swap3A_153 = arith.constant 48 : index
      %swap3A_154 = tpu.vector_load %arg6[%swap3A_152, %swap3A_153] {strides = array<i32>} : memref<256x128xf32, #tpu.memory_space<vmem>>, vector<16xf32>,
      tpu.vector_store %arg6[%swap3A_152, %swap3A_153], %broadcast_in_dim3A_11 {strides = array<i32>} : memref<256x128xf32, #tpu.memory_space<vmem>>, vector<16xf32>,
      %mul3A_155 = arith.constant 2 : i32
      %mul3A_156 = arith.muli %scan3A_71, %mul3A_155 : i32
      %add3A_157 = arith.constant 1 : i32
      %add3A_158 = arith.addi %mul3A_156, %add3A_157 : i32
      %swap3A_159 = arith.index_cast %add3A_158 : i32 to index
      %swap3A_160 = arith.constant 64 : index
      %swap3A_161 = tpu.vector_load %arg6[%swap3A_159, %swap3A_160] {strides = array<i32>} : memref<256x128xf32, #tpu.memory_space<vmem>>, vector<16xf32>,
      tpu.vector_store %arg6[%swap3A_159, %swap3A_160], %broadcast_in_dim3A_11 {strides = array<i32>} : memref<256x128xf32, #tpu.memory_space<vmem>>, vector<16xf32>,
      %mul3A_162 = arith.constant 2 : i32
      %mul3A_163 = arith.muli %scan3A_71, %mul3A_162 : i32
      %add3A_164 = arith.constant 1 : i32
      %add3A_165 = arith.addi %mul3A_163, %add3A_164 : i32
      %swap3A_166 = arith.index_cast %add3A_165 : i32 to index
      %swap3A_167 = arith.constant 80 : index
      %swap3A_168 = tpu.vector_load %arg6[%swap3A_166, %swap3A_167] {strides = array<i32>} : memref<256x128xf32, #tpu.memory_space<vmem>>, vector<16xf32>,
      tpu.vector_store %arg6[%swap3A_166, %swap3A_167], %broadcast_in_dim3A_11 {strides = array<i32>} : memref<256x128xf32, #tpu.memory_space<vmem>>, vector<16xf32>,
      %mul3A_169 = arith.constant 2 : i32
      %mul3A_170 = arith.muli %scan3A_71, %mul3A_169 : i32
      %add3A_171 = arith.constant 1 : i32
      %add3A_172 = arith.addi %mul3A_170, %add3A_171 : i32
      %swap3A_173 = arith.index_cast %add3A_172 : i32 to index
      %swap3A_174 = arith.constant 96 : index
      %swap3A_175 = tpu.vector_load %arg6[%swap3A_173, %swap3A_174] {strides = array<i32>} : memref<256x128xf32, #tpu.memory_space<vmem>>, vector<16xf32>,
      tpu.vector_store %arg6[%swap3A_173, %swap3A_174], %broadcast_in_dim3A_11 {strides = array<i32>} : memref<256x128xf32, #tpu.memory_space<vmem>>, vector<16xf32>,
      %mul3A_176 = arith.constant 2 : i32
      %mul3A_177 = arith.muli %scan3A_71, %mul3A_176 : i32
      %add3A_178 = arith.constant 1 : i32
      %add3A_179 = arith.addi %mul3A_177, %add3A_178 : i32
      %swap3A_180 = arith.index_cast %add3A_179 : i32 to index
      %swap3A_181 = arith.constant 112 : index
      %swap3A_182 = tpu.vector_load %arg6[%swap3A_180, %swap3A_181] {strides = array<i32>} : memref<256x128xf32, #tpu.memory_space<vmem>>, vector<16xf32>,
      tpu.vector_store %arg6[%swap3A_180, %swap3A_181], %broadcast_in_dim3A_11 {strides = array<i32>} : memref<256x128xf32, #tpu.memory_space<vmem>>, vector<16xf32>,
    }
    %scan3A_38 = arith.constant 128 : i32
    %scan3A_39 = arith.constant 1 : i32
    %scan3A_40 = arith.constant 0 : i32
    %scan3A_41 = arith.constant 8 : i32
    %scan3A_42 = arith.addi %scan3A_40, %scan3A_41 : i32
    %scan3A_43 = arith.constant 1 : i32
    scf.for %scan3A_71 = %scan3A_40 to %scan3A_42 step %scan3A_43  : i32 {
      %mul3A_72 = arith.constant 16 : i32
      %mul3A_73 = arith.muli %scan3A_71, %mul3A_72 : i32
      %get3A = arith.index_cast %scan3A_39 : i32 to index
      %get3A_74 = arith.index_cast %mul3A_73 : i32 to index
      %get3A_75 = tpu.vector_load %arg4[%get3A, %get3A_74] {strides = array<i32>} : memref<50x128xi32, #tpu.memory_space<vmem>>, vector<16xi32>,
      %ge3A = vector.broadcast %select_n3A : i32 to vector<16xi32>
      %ge3A_76 = arith.cmpi sge, %get3A_75, %ge3A : vector<16xi32>
      %add3A_77 = arith.constant 256 : i32
      %add3A_78 = arith.addi %select_n3A, %add3A_77 : i32
      %lt3A = vector.broadcast %add3A_78 : i32 to vector<16xi32>
      %lt3A_79 = arith.cmpi slt, %get3A_75, %lt3A : vector<16xi32>
      %and3A_80 = arith.andi %ge3A_76, %lt3A_79 : vector<16xi1>
      %sub3A = vector.broadcast %select_n3A : i32 to vector<16xi32>
      %sub3A_81 = arith.subi %get3A_75, %sub3A : vector<16xi32>
      %mul3A_82 = arith.constant 16 : i32
      %mul3A_83 = arith.muli %scan3A_71, %mul3A_82 : i32
      %add3A_84 = vector.broadcast %mul3A_83 : i32 to vector<16xi32>
      %add3A_85 = arith.addi %iota3A, %add3A_84 : vector<16xi32>
      tpu.vector_store_idx %arg6[%sub3A_81, %add3A_85], %broadcast_in_dim3A_13 masked %and3A_80 : memref<256x128xf32, #tpu.memory_space<vmem>>[vector<16xi32>, vector<16xi32>], vector<16xf32>, vector<16xi1>
    }
    %scan3A_44 = arith.constant 8 : i32
    %mul3A_45 = arith.constant 128 : i32
    %mul3A_46 = arith.muli %shift_right_arithmetic3A_1, %mul3A_45 : i32
    %dma_start3A_47 = arith.constant 1 : i32
    %dma_start3A_48 = tpu.memref_slice %arg3[%dma_start3A_47, %select_n3A, %mul3A_46] : memref<50x1000x1024xf32, #tpu.memory_space<hbm>> -> memref<1x256x128xf32, #tpu.memory_space<hbm>>
    %dma_start3A_49 = tpu.memref_squeeze %dma_start3A_48 : memref<1x256x128xf32, #tpu.memory_space<hbm>> -> memref<256x128xf32, #tpu.memory_space<hbm>>
    %dma_start3A_50 = tpu.memref_slice %arg3[%dma_start3A_47, %select_n3A, %mul3A_46] : memref<50x1000x1024xf32, #tpu.memory_space<hbm>> -> memref<1x256x128xf32, #tpu.memory_space<hbm>>
    %dma_start3A_51 = tpu.memref_squeeze %dma_start3A_50 : memref<1x256x128xf32, #tpu.memory_space<hbm>> -> memref<256x128xf32, #tpu.memory_space<hbm>>
    tpu.enqueue_dma source(%arg6 : memref<256x128xf32, #tpu.memory_space<vmem>>) target(%dma_start3A_51 : memref<256x128xf32, #tpu.memory_space<hbm>>) target_semaphore(%arg8 : memref<!tpu.dma_semaphore, #tpu.memory_space<semaphore_mem>>)
    %scan3A_52 = arith.constant 1 : i32
    %scan3A_53 = arith.constant 24 : i32
    %scan3A_54 = arith.addi %scan3A_52, %scan3A_53 : i32
    %scan3A_55 = arith.constant 1 : i32
    scf.for %scan3A_71 = %scan3A_52 to %scan3A_54 step %scan3A_55  : i32 {
      %mul3A_72 = arith.constant 2 : i32
      %mul3A_73 = arith.muli %scan3A_71, %mul3A_72 : i32
      %add3A_74 = arith.constant 0 : i32
      %add3A_75 = arith.addi %mul3A_73, %add3A_74 : i32
      %sub3A = arith.constant 2 : i32
      %sub3A_76 = arith.subi %add3A_75, %sub3A : i32
      %mul3A_77 = arith.constant 128 : i32
      %mul3A_78 = arith.muli %shift_right_arithmetic3A_1, %mul3A_77 : i32
      %dma_wait3A_79 = tpu.memref_slice %arg3[%sub3A_76, %select_n3A, %mul3A_78] : memref<50x1000x1024xf32, #tpu.memory_space<hbm>> -> memref<1x256x128xf32, #tpu.memory_space<hbm>>
      %dma_wait3A_80 = tpu.memref_squeeze %dma_wait3A_79 : memref<1x256x128xf32, #tpu.memory_space<hbm>> -> memref<256x128xf32, #tpu.memory_space<hbm>>
      %dma_wait3A_81 = tpu.memref_slice %arg3[%sub3A_76, %select_n3A, %mul3A_78] : memref<50x1000x1024xf32, #tpu.memory_space<hbm>> -> memref<1x256x128xf32, #tpu.memory_space<hbm>>
      %dma_wait3A_82 = tpu.memref_squeeze %dma_wait3A_81 : memref<1x256x128xf32, #tpu.memory_space<hbm>> -> memref<256x128xf32, #tpu.memory_space<hbm>>
      tpu.wait_dma2 semaphore(%arg7 : memref<!tpu.dma_semaphore, #tpu.memory_space<semaphore_mem>>) src(%arg5 : memref<256x128xf32, #tpu.memory_space<vmem>>) dst(%dma_wait3A_82 : memref<256x128xf32, #tpu.memory_space<hbm>>)
      %sub3A_83 = arith.constant 2 : i32
      %sub3A_84 = arith.subi %add3A_75, %sub3A_83 : i32
      %scan3A_85 = arith.constant 0 : i32
      %scan3A_86 = arith.constant 8 : i32
      %scan3A_87 = arith.addi %scan3A_85, %scan3A_86 : i32
      %scan3A_88 = arith.constant 1 : i32
      scf.for %scan3A_131 = %scan3A_85 to %scan3A_87 step %scan3A_88  : i32 {
        %mul3A_132 = arith.constant 16 : i32
        %mul3A_133 = arith.muli %scan3A_131, %mul3A_132 : i32
        %get3A = arith.index_cast %sub3A_84 : i32 to index
        %get3A_134 = arith.index_cast %mul3A_133 : i32 to index
        %get3A_135 = tpu.vector_load %arg4[%get3A, %get3A_134] {strides = array<i32>} : memref<50x128xi32, #tpu.memory_space<vmem>>, vector<16xi32>,
        %ge3A = vector.broadcast %select_n3A : i32 to vector<16xi32>
        %ge3A_136 = arith.cmpi sge, %get3A_135, %ge3A : vector<16xi32>
        %add3A_137 = arith.constant 256 : i32
        %add3A_138 = arith.addi %select_n3A, %add3A_137 : i32
        %lt3A = vector.broadcast %add3A_138 : i32 to vector<16xi32>
        %lt3A_139 = arith.cmpi slt, %get3A_135, %lt3A : vector<16xi32>
        %and3A_140 = arith.andi %ge3A_136, %lt3A_139 : vector<16xi1>
        %sub3A_141 = vector.broadcast %select_n3A : i32 to vector<16xi32>
        %sub3A_142 = arith.subi %get3A_135, %sub3A_141 : vector<16xi32>
        %mul3A_143 = arith.constant 16 : i32
        %mul3A_144 = arith.muli %scan3A_131, %mul3A_143 : i32
        %add3A_145 = vector.broadcast %mul3A_144 : i32 to vector<16xi32>
        %add3A_146 = arith.addi %iota3A, %add3A_145 : vector<16xi32>
        tpu.vector_store_idx %arg5[%sub3A_142, %add3A_146], %broadcast_in_dim3A_11 masked %and3A_140 : memref<256x128xf32, #tpu.memory_space<vmem>>[vector<16xi32>, vector<16xi32>], vector<16xf32>, vector<16xi1>
      }
      %scan3A_89 = arith.constant 8 : i32
      %scan3A_90 = arith.constant 0 : i32
      %scan3A_91 = arith.constant 8 : i32
      %scan3A_92 = arith.addi %scan3A_90, %scan3A_91 : i32
      %scan3A_93 = arith.constant 1 : i32
      scf.for %scan3A_131 = %scan3A_90 to %scan3A_92 step %scan3A_93  : i32 {
        %mul3A_132 = arith.constant 16 : i32
        %mul3A_133 = arith.muli %scan3A_131, %mul3A_132 : i32
        %get3A = arith.index_cast %add3A_75 : i32 to index
        %get3A_134 = arith.index_cast %mul3A_133 : i32 to index
        %get3A_135 = tpu.vector_load %arg4[%get3A, %get3A_134] {strides = array<i32>} : memref<50x128xi32, #tpu.memory_space<vmem>>, vector<16xi32>,
        %ge3A = vector.broadcast %select_n3A : i32 to vector<16xi32>
        %ge3A_136 = arith.cmpi sge, %get3A_135, %ge3A : vector<16xi32>
        %add3A_137 = arith.constant 256 : i32
        %add3A_138 = arith.addi %select_n3A, %add3A_137 : i32
        %lt3A = vector.broadcast %add3A_138 : i32 to vector<16xi32>
        %lt3A_139 = arith.cmpi slt, %get3A_135, %lt3A : vector<16xi32>
        %and3A_140 = arith.andi %ge3A_136, %lt3A_139 : vector<16xi1>
        %sub3A_141 = vector.broadcast %select_n3A : i32 to vector<16xi32>
        %sub3A_142 = arith.subi %get3A_135, %sub3A_141 : vector<16xi32>
        %mul3A_143 = arith.constant 16 : i32
        %mul3A_144 = arith.muli %scan3A_131, %mul3A_143 : i32
        %add3A_145 = vector.broadcast %mul3A_144 : i32 to vector<16xi32>
        %add3A_146 = arith.addi %iota3A, %add3A_145 : vector<16xi32>
        tpu.vector_store_idx %arg5[%sub3A_142, %add3A_146], %broadcast_in_dim3A_13 masked %and3A_140 : memref<256x128xf32, #tpu.memory_space<vmem>>[vector<16xi32>, vector<16xi32>], vector<16xf32>, vector<16xi1>
      }
      %scan3A_94 = arith.constant 8 : i32
      %mul3A_95 = arith.constant 128 : i32
      %mul3A_96 = arith.muli %shift_right_arithmetic3A_1, %mul3A_95 : i32
      %dma_start3A_97 = tpu.memref_slice %arg3[%add3A_75, %select_n3A, %mul3A_96] : memref<50x1000x1024xf32, #tpu.memory_space<hbm>> -> memref<1x256x128xf32, #tpu.memory_space<hbm>>
      %dma_start3A_98 = tpu.memref_squeeze %dma_start3A_97 : memref<1x256x128xf32, #tpu.memory_space<hbm>> -> memref<256x128xf32, #tpu.memory_space<hbm>>
      %dma_start3A_99 = tpu.memref_slice %arg3[%add3A_75, %select_n3A, %mul3A_96] : memref<50x1000x1024xf32, #tpu.memory_space<hbm>> -> memref<1x256x128xf32, #tpu.memory_space<hbm>>
      %dma_start3A_100 = tpu.memref_squeeze %dma_start3A_99 : memref<1x256x128xf32, #tpu.memory_space<hbm>> -> memref<256x128xf32, #tpu.memory_space<hbm>>
      tpu.enqueue_dma source(%arg5 : memref<256x128xf32, #tpu.memory_space<vmem>>) target(%dma_start3A_100 : memref<256x128xf32, #tpu.memory_space<hbm>>) target_semaphore(%arg7 : memref<!tpu.dma_semaphore, #tpu.memory_space<semaphore_mem>>)
      %mul3A_101 = arith.constant 2 : i32
      %mul3A_102 = arith.muli %scan3A_71, %mul3A_101 : i32
      %add3A_103 = arith.constant 1 : i32
      %add3A_104 = arith.addi %mul3A_102, %add3A_103 : i32
      %sub3A_105 = arith.constant 2 : i32
      %sub3A_106 = arith.subi %add3A_104, %sub3A_105 : i32
      %mul3A_107 = arith.constant 128 : i32
      %mul3A_108 = arith.muli %shift_right_arithmetic3A_1, %mul3A_107 : i32
      %dma_wait3A_109 = tpu.memref_slice %arg3[%sub3A_106, %select_n3A, %mul3A_108] : memref<50x1000x1024xf32, #tpu.memory_space<hbm>> -> memref<1x256x128xf32, #tpu.memory_space<hbm>>
      %dma_wait3A_110 = tpu.memref_squeeze %dma_wait3A_109 : memref<1x256x128xf32, #tpu.memory_space<hbm>> -> memref<256x128xf32, #tpu.memory_space<hbm>>
      %dma_wait3A_111 = tpu.memref_slice %arg3[%sub3A_106, %select_n3A, %mul3A_108] : memref<50x1000x1024xf32, #tpu.memory_space<hbm>> -> memref<1x256x128xf32, #tpu.memory_space<hbm>>
      %dma_wait3A_112 = tpu.memref_squeeze %dma_wait3A_111 : memref<1x256x128xf32, #tpu.memory_space<hbm>> -> memref<256x128xf32, #tpu.memory_space<hbm>>
      tpu.wait_dma2 semaphore(%arg8 : memref<!tpu.dma_semaphore, #tpu.memory_space<semaphore_mem>>) src(%arg6 : memref<256x128xf32, #tpu.memory_space<vmem>>) dst(%dma_wait3A_112 : memref<256x128xf32, #tpu.memory_space<hbm>>)
      %sub3A_113 = arith.constant 2 : i32
      %sub3A_114 = arith.subi %add3A_104, %sub3A_113 : i32
      %scan3A_115 = arith.constant 0 : i32
      %scan3A_116 = arith.constant 8 : i32
      %scan3A_117 = arith.addi %scan3A_115, %scan3A_116 : i32
      %scan3A_118 = arith.constant 1 : i32
      scf.for %scan3A_131 = %scan3A_115 to %scan3A_117 step %scan3A_118  : i32 {
        %mul3A_132 = arith.constant 16 : i32
        %mul3A_133 = arith.muli %scan3A_131, %mul3A_132 : i32
        %get3A = arith.index_cast %sub3A_114 : i32 to index
        %get3A_134 = arith.index_cast %mul3A_133 : i32 to index
        %get3A_135 = tpu.vector_load %arg4[%get3A, %get3A_134] {strides = array<i32>} : memref<50x128xi32, #tpu.memory_space<vmem>>, vector<16xi32>,
        %ge3A = vector.broadcast %select_n3A : i32 to vector<16xi32>
        %ge3A_136 = arith.cmpi sge, %get3A_135, %ge3A : vector<16xi32>
        %add3A_137 = arith.constant 256 : i32
        %add3A_138 = arith.addi %select_n3A, %add3A_137 : i32
        %lt3A = vector.broadcast %add3A_138 : i32 to vector<16xi32>
        %lt3A_139 = arith.cmpi slt, %get3A_135, %lt3A : vector<16xi32>
        %and3A_140 = arith.andi %ge3A_136, %lt3A_139 : vector<16xi1>
        %sub3A_141 = vector.broadcast %select_n3A : i32 to vector<16xi32>
        %sub3A_142 = arith.subi %get3A_135, %sub3A_141 : vector<16xi32>
        %mul3A_143 = arith.constant 16 : i32
        %mul3A_144 = arith.muli %scan3A_131, %mul3A_143 : i32
        %add3A_145 = vector.broadcast %mul3A_144 : i32 to vector<16xi32>
        %add3A_146 = arith.addi %iota3A, %add3A_145 : vector<16xi32>
        tpu.vector_store_idx %arg6[%sub3A_142, %add3A_146], %broadcast_in_dim3A_11 masked %and3A_140 : memref<256x128xf32, #tpu.memory_space<vmem>>[vector<16xi32>, vector<16xi32>], vector<16xf32>, vector<16xi1>
      }
      %scan3A_119 = arith.constant 8 : i32
      %scan3A_120 = arith.constant 0 : i32
      %scan3A_121 = arith.constant 8 : i32
      %scan3A_122 = arith.addi %scan3A_120, %scan3A_121 : i32
      %scan3A_123 = arith.constant 1 : i32
      scf.for %scan3A_131 = %scan3A_120 to %scan3A_122 step %scan3A_123  : i32 {
        %mul3A_132 = arith.constant 16 : i32
        %mul3A_133 = arith.muli %scan3A_131, %mul3A_132 : i32
        %get3A = arith.index_cast %add3A_104 : i32 to index
        %get3A_134 = arith.index_cast %mul3A_133 : i32 to index
        %get3A_135 = tpu.vector_load %arg4[%get3A, %get3A_134] {strides = array<i32>} : memref<50x128xi32, #tpu.memory_space<vmem>>, vector<16xi32>,
        %ge3A = vector.broadcast %select_n3A : i32 to vector<16xi32>
        %ge3A_136 = arith.cmpi sge, %get3A_135, %ge3A : vector<16xi32>
        %add3A_137 = arith.constant 256 : i32
        %add3A_138 = arith.addi %select_n3A, %add3A_137 : i32
        %lt3A = vector.broadcast %add3A_138 : i32 to vector<16xi32>
        %lt3A_139 = arith.cmpi slt, %get3A_135, %lt3A : vector<16xi32>
        %and3A_140 = arith.andi %ge3A_136, %lt3A_139 : vector<16xi1>
        %sub3A_141 = vector.broadcast %select_n3A : i32 to vector<16xi32>
        %sub3A_142 = arith.subi %get3A_135, %sub3A_141 : vector<16xi32>
        %mul3A_143 = arith.constant 16 : i32
        %mul3A_144 = arith.muli %scan3A_131, %mul3A_143 : i32
        %add3A_145 = vector.broadcast %mul3A_144 : i32 to vector<16xi32>
        %add3A_146 = arith.addi %iota3A, %add3A_145 : vector<16xi32>
        tpu.vector_store_idx %arg6[%sub3A_142, %add3A_146], %broadcast_in_dim3A_13 masked %and3A_140 : memref<256x128xf32, #tpu.memory_space<vmem>>[vector<16xi32>, vector<16xi32>], vector<16xf32>, vector<16xi1>
      }
      %scan3A_124 = arith.constant 8 : i32
      %mul3A_125 = arith.constant 128 : i32
      %mul3A_126 = arith.muli %shift_right_arithmetic3A_1, %mul3A_125 : i32
      %dma_start3A_127 = tpu.memref_slice %arg3[%add3A_104, %select_n3A, %mul3A_126] : memref<50x1000x1024xf32, #tpu.memory_space<hbm>> -> memref<1x256x128xf32, #tpu.memory_space<hbm>>
      %dma_start3A_128 = tpu.memref_squeeze %dma_start3A_127 : memref<1x256x128xf32, #tpu.memory_space<hbm>> -> memref<256x128xf32, #tpu.memory_space<hbm>>
      %dma_start3A_129 = tpu.memref_slice %arg3[%add3A_104, %select_n3A, %mul3A_126] : memref<50x1000x1024xf32, #tpu.memory_space<hbm>> -> memref<1x256x128xf32, #tpu.memory_space<hbm>>
      %dma_start3A_130 = tpu.memref_squeeze %dma_start3A_129 : memref<1x256x128xf32, #tpu.memory_space<hbm>> -> memref<256x128xf32, #tpu.memory_space<hbm>>
      tpu.enqueue_dma source(%arg6 : memref<256x128xf32, #tpu.memory_space<vmem>>) target(%dma_start3A_130 : memref<256x128xf32, #tpu.memory_space<hbm>>) target_semaphore(%arg8 : memref<!tpu.dma_semaphore, #tpu.memory_space<semaphore_mem>>)
    }
    %scan3A_56 = arith.constant 24 : i32
    %mul3A_57 = arith.constant 128 : i32
    %mul3A_58 = arith.muli %shift_right_arithmetic3A_1, %mul3A_57 : i32
    %dma_wait3A_59 = arith.constant 48 : i32
    %dma_wait3A_60 = tpu.memref_slice %arg3[%dma_wait3A_59, %select_n3A, %mul3A_58] : memref<50x1000x1024xf32, #tpu.memory_space<hbm>> -> memref<1x256x128xf32, #tpu.memory_space<hbm>>
    %dma_wait3A_61 = tpu.memref_squeeze %dma_wait3A_60 : memref<1x256x128xf32, #tpu.memory_space<hbm>> -> memref<256x128xf32, #tpu.memory_space<hbm>>
    %dma_wait3A_62 = tpu.memref_slice %arg3[%dma_wait3A_59, %select_n3A, %mul3A_58] : memref<50x1000x1024xf32, #tpu.memory_space<hbm>> -> memref<1x256x128xf32, #tpu.memory_space<hbm>>
    %dma_wait3A_63 = tpu.memref_squeeze %dma_wait3A_62 : memref<1x256x128xf32, #tpu.memory_space<hbm>> -> memref<256x128xf32, #tpu.memory_space<hbm>>
    tpu.wait_dma2 semaphore(%arg7 : memref<!tpu.dma_semaphore, #tpu.memory_space<semaphore_mem>>) src(%arg5 : memref<256x128xf32, #tpu.memory_space<vmem>>) dst(%dma_wait3A_63 : memref<256x128xf32, #tpu.memory_space<hbm>>)
    %mul3A_64 = arith.constant 128 : i32
    %mul3A_65 = arith.muli %shift_right_arithmetic3A_1, %mul3A_64 : i32
    %dma_wait3A_66 = arith.constant 49 : i32
    %dma_wait3A_67 = tpu.memref_slice %arg3[%dma_wait3A_66, %select_n3A, %mul3A_65] : memref<50x1000x1024xf32, #tpu.memory_space<hbm>> -> memref<1x256x128xf32, #tpu.memory_space<hbm>>
    %dma_wait3A_68 = tpu.memref_squeeze %dma_wait3A_67 : memref<1x256x128xf32, #tpu.memory_space<hbm>> -> memref<256x128xf32, #tpu.memory_space<hbm>>
    %dma_wait3A_69 = tpu.memref_slice %arg3[%dma_wait3A_66, %select_n3A, %mul3A_65] : memref<50x1000x1024xf32, #tpu.memory_space<hbm>> -> memref<1x256x128xf32, #tpu.memory_space<hbm>>
    %dma_wait3A_70 = tpu.memref_squeeze %dma_wait3A_69 : memref<1x256x128xf32, #tpu.memory_space<hbm>> -> memref<256x128xf32, #tpu.memory_space<hbm>>
    tpu.wait_dma2 semaphore(%arg8 : memref<!tpu.dma_semaphore, #tpu.memory_space<semaphore_mem>>) src(%arg6 : memref<256x128xf32, #tpu.memory_space<vmem>>) dst(%dma_wait3A_70 : memref<256x128xf32, #tpu.memory_space<hbm>>)
    return
  }
}

</mosaic_0001>

<sc_bundles>
// kernel: kernel.3.cloned.1.call-start
scs
__scs_entry_jumppad:
0x0: {  	(pc) =	sbr.rel $0x88, $3  }
0x1: {  	(tag) =	ssettag $0x0;
	lr =	simm.s32 $0x1  }
0x2: {  	[smem:$0x3FA0] =	sst lr;
	_ =	strace $0xD0000000  }
0x3: {  	_ = 	snop  }
0x4: {  	_ = 	snop  }
0x5: {  	_ = 	snop  }
0x6: {  	_ = 	snop  }
0x7: {  	_ = 	snop  }
__scs_overlays_trampoline_lowered:
0x8: {  	[smem:$0x3FAF] =	sst s0  }
0x9: {  	[smem:$0x3FB0] =	sst s1  }
0xa: {  	[smem:$0x3FB1] =	sst s2  }
0xb: {  	[smem:$0x3FB2] =	sst s3  }
0xc: {  	[smem:$0x3FB3] =	sst s4  }
0xd: {  	[smem:$0x3FB4] =	sst s5  }
0xe: {  	[smem:$0x3FB5] =	sst s6  }
0xf: {  	[smem:$0x3FB6] =	sst s7  }
0x10: {  	[smem:$0x3FB7] =	sst s8  }
0x11: {  	[smem:$0x3FB8] =	sst s9;
	s0 =	simm.s32 @!p0 $0x0  }
0x12: {  	s1 =	sld [smem:$0x3F9E];
	s0 =	simm.s32 @p0 $0x1  }
0x13: {  	[smem:$0x3FB9] =	sst s0;
	s0 =	simm.s32 @!p1 $0x0  }
0x14: {  	s2 =	sld [smem:$0x3F9D];
	s0 =	simm.s32 @p1 $0x1  }
0x15: {  	[smem:$0x3FBA] =	sst s0;
	s0 =	simm.s32 @!p2 $0x0  }
0x16: {  	s3 =	sld [smem:$0x3FDB];
	s0 =	simm.s32 @p2 $0x1  }
0x17: {  	s4 =	simm.s32 $0x1BF5;
	[smem:$0x3FBC] =	sst s0  }
0x18: {  	s0 =	sld [smem:$0x3F9F];
	_ =	swait.ge [sflag:s4], $0x0  }
0x19: {  	s7 =	sld [smem:$0x3FA0]  }
0x1a: {  	s8 =	sadd.s32 $0xFFFFE003, lr  }
0x1b: {  	s9 =	sadd.s32 $0xFFFFFEF7, lr;
	s5 =	simm.s32 $0xFFFFFFFF;
	p2 =	slt.u32 s8, $0xFFFFF086  }
0x1c: {  	p1 =	slt.u32 s9, $0xF7A;
	s5 =	simm.s32 @!p2 $0x0  }
0x1d: {  	s5 =	simm.s32 @p1 $0x1;
	p0 =	seq.s32 s7, s2  }
0x1e: {  	s7 =	smul.u32 @!p0 $0xF7A, s2;
	p2 =	seq.s32 @!p0 s5, $0x0  }
0x1f: {  	s9 =	smul.u32 $0xF7A, s1;
	s8 =	simm.s32 @!p0 $0x1BF5;
	p2 =	por !p2, p0  }
0x20: {  	[sflag:s8] =	ssyncset.s32 @!p0 $0xFFFFF086;
	s6 =	sadd.s32 @!p0 s3, s7;
	s7 =	simm.s32 @!p0 $0x108  }
0x21: {  	s3 =	sadd.s32 s3, s9;
	s6 =	sadd.s32 @!p0 $0x88, s6;
	s7 =	simm.s32 @p2 $0x1082  }
0x22: {  	[simem:s7], [sflag:s8] =	dma.local @!p0 [hbm:s6], $0xF7A  }
0x23: {  	s9 =	sor.u32 $0xD0000000, s2;
	s6 =	simm.s32 $0x108;
	_ =	swait.ge @!p0 [sflag:s8], $0x0  }
0x24: {  	s3 =	sadd.s32 $0x88, s3;
	s6 =	simm.s32 @!p1 $0x1082;
	[sflag:s4] =	ssyncset.s32 $0xFFFFF086  }
0x25: {  	[simem:s6], [sflag:s4] =	dma.local [hbm:s3], $0xF7A  }
0x26: {  	[smem:$0x3FA0] =	sst s1;
	(tag) =	ssettag s2;
	_ =	strace s9  }
0x27: {  	s1 =	sld [smem:$0x3FB0]  }
0x28: {  	s2 =	sld [smem:$0x3FB1]  }
0x29: {  	s4 =	sld [smem:$0x3FB3]  }
0x2a: {  	p0 =	seq.s32 s5, $0x0;
	s5 =	sld [smem:$0x3FB4]  }
0x2b: {  	s6 =	sld [smem:$0x3FB5]  }
0x2c: {  	s7 =	sld [smem:$0x3FB6]  }
0x2d: {  	s3 =	simm.s32 $0x108;
	s8 =	sld [smem:$0x3FB7]  }
0x2e: {  	s3 =	simm.s32 @!p0 $0x1082;
	s9 =	sld [smem:$0x3FB8]  }
0x2f: {  	lr =	sadd.s32 s0, s3;
	s0 =	sld [smem:$0x3FAF]  }
0x30: {  	s3 =	sld [smem:$0x3FB2]  }
0x31: {  	[smem:$0x3FBB] =	sst s10  }
0x32: {  	s10 =	sld [smem:$0x3FB9];
	_ =	sdelay $0x3  }
0x33: {  	p0 =	seq.s32 s10, $0x1;
	s10 =	sld [smem:$0x3FBB];
	_ =	sdelay $0x3  }
0x34: {  	[smem:$0x3FBB] =	sst s10  }
0x35: {  	s10 =	sld [smem:$0x3FBA];
	_ =	sdelay $0x3  }
0x36: {  	p1 =	seq.s32 s10, $0x1;
	s10 =	sld [smem:$0x3FBB];
	_ =	sdelay $0x3  }
0x37: {  	[smem:$0x3FBB] =	sst s10  }
0x38: {  	s10 =	sld [smem:$0x3FBC]  }
0x39: {  	_ = 	snop;
	(pc) =	sbr.ind lr, $3  }
0x3a: {  	_ = 	snop  }
0x3b: {  	_ = 	snop  }
0x3c: {  	p2 =	seq.s32 s10, $0x1;
	s10 =	sld [smem:$0x3FBB]  }
0x3d: {  	_ =	shalt  }
0x3e: {  	_ =	shalt  }
0x3f: {  	_ =	shalt  }
0x40: {  	_ =	shalt  }
0x41: {  	_ =	shalt  }
0x42: {  	_ =	shalt  }
0x43: {  	_ =	shalt  }
0x44: {  	_ =	shalt  }
0x45: {  	_ =	shalt  }
0x46: {  	_ =	shalt  }
0x47: {  	_ =	shalt  }
0x48: {  	_ =	shalt  }
0x49: {  	_ =	shalt  }
0x4a: {  	_ =	shalt  }
0x4b: {  	_ =	shalt  }
0x4c: {  	_ =	shalt  }
0x4d: {  	_ =	shalt  }
0x4e: {  	_ =	shalt  }
0x4f: {  	_ =	shalt  }
0x50: {  	_ =	shalt  }
0x51: {  	_ =	shalt  }
0x52: {  	_ =	shalt  }
0x53: {  	_ =	shalt  }
0x54: {  	_ =	shalt  }
0x55: {  	_ =	shalt  }
0x56: {  	_ =	shalt  }
0x57: {  	_ =	shalt  }
0x58: {  	_ =	shalt  }
0x59: {  	_ =	shalt  }
0x5a: {  	_ =	shalt  }
0x5b: {  	_ =	shalt  }
0x5c: {  	_ =	shalt  }
0x5d: {  	_ =	shalt  }
0x5e: {  	_ =	shalt  }
0x5f: {  	_ =	shalt  }
0x60: {  	_ =	shalt  }
0x61: {  	_ =	shalt  }
0x62: {  	_ =	shalt  }
0x63: {  	_ =	shalt  }
0x64: {  	_ =	shalt  }
0x65: {  	_ =	shalt  }
0x66: {  	_ =	shalt  }
0x67: {  	_ =	shalt  }
0x68: {  	_ =	shalt  }
0x69: {  	_ =	shalt  }
0x6a: {  	_ =	shalt  }
0x6b: {  	_ =	shalt  }
0x6c: {  	_ =	shalt  }
0x6d: {  	_ =	shalt  }
0x6e: {  	_ =	shalt  }
0x6f: {  	_ =	shalt  }
0x70: {  	_ =	shalt  }
0x71: {  	_ =	shalt  }
0x72: {  	_ =	shalt  }
0x73: {  	_ =	shalt  }
0x74: {  	_ =	shalt  }
0x75: {  	_ =	shalt  }
0x76: {  	_ =	shalt  }
0x77: {  	_ =	shalt  }
0x78: {  	_ =	shalt  }
0x79: {  	_ =	shalt  }
0x7a: {  	_ =	shalt  }
0x7b: {  	_ =	shalt  }
0x7c: {  	_ =	shalt  }
0x7d: {  	_ =	shalt  }
0x7e: {  	_ =	shalt  }
0x7f: {  	_ =	shalt  }
0x80: {  	_ =	shalt  }
0x81: {  	_ =	shalt  }
0x82: {  	_ =	shalt  }
0x83: {  	_ =	shalt  }
0x84: {  	_ =	shalt  }
0x85: {  	_ =	shalt  }
0x86: {  	_ =	shalt  }
0x87: {  	_ =	shalt  }
.Lfunc_end0:
.L_simem_size_0:
called_computation_lowered:
.L_overlay_start_0:
0x88: {  	s2 =	sld [smem:$0x3FD9]  }
0x89: {  	s3 =	sld [smem:$0x3FFE];
	_ =	sdelay $0x1  }
0x8a: {  	s1 =	srdreg.scid  }
0x8b: {  	s0 =	sand.u32 $0x1, s1  }
0x8c: {  	s18 =	sshll.u32 s0, $0xA;
	s2 =	sadd.s32 s3, s2  }
0x8d: {  	s2 =	sadd.s32 s2, s18  }
0x8e: {  	[smem:$0x3FC7] =	sst s2  }
0x8f: {  	_ = 	snop  }
0x90: {  	s2 =	sld [smem:$0x3FC9]  }
0x91: {  	s19 =	sld [smem:$0x3FD0];
	(tm) =	ssettm $0x1  }
0x92: {  	s4 =	sld [smem:$0x3FFB];
	_ =	sdelay $0x3  }
0x93: {  	_ =	strace s4  }
0x94: {  	s4 =	sld [smem:$0x3FFC];
	_ =	sdelay $0x3  }
0x95: {  	_ =	strace s4  }
0x96: {  	s4 =	sld [smem:$0x3FFD];
	_ =	sdelay $0x3  }
0x97: {  	_ =	strace s4  }
0x98: {  	_ =	strace $0x8FFFFFFF  }
0x99: {  	s20 =	sld [smem:$0x3FDB];
	_ =	sdelay $0x1  }
0x9a: {  	s5 =	simm.s32 $_scs_section_size  }
0x9b: {  	s6 =	simm.s32 $_size__tile_overlayer_lowered;
	s7 =	simm.s32 $_tile_overlayer_lowered  }
0x9c: {  	s23 =	simm.s32 $0x1BFF;
	s22 =	sshll.u32 s7, $0x1;
	s4 =	sadd.s32 s5, s20  }
0x9d: {  	s8 =	simm.s32 $0x0;
	s21 =	sshll.u32 s6, $0x1;
	s6 =	sadd.s32 s22, s4  }
0x9e: {  	[timem:s8], [sflag:s23] =	dma.local [hbm:s6], s21  }
0x9f: {  	_ =	swait.ge [sflag:s23], s21  }
0xa0: {  	s5 =	ssub.s32 $0x0, s21;
	[sflag:s23] =	ssyncset.done $0x0  }
0xa1: {  	[sflag:s23] =	ssyncadd.s32 s5;
	_ =	sdelay $0x1  }
0xa2: {  	s24 =	simm.s32 $0x1B8B  }
0xa3: {  	_ =	swait.ge [sflag:s24], $0x1  }
0xa4: {  	[sflag:s24] =	ssyncset.done $0x0  }
0xa5: {  	s25 =	simm.s32 $0x1B8E;
	[sflag:s24] =	ssyncadd.s32 $0xFFFFFFFF  }
0xa6: {  	s26 =	simm.s32 $execute0_lowered;
	[smem:$0x3FD2] =	sst s25  }
0xa7: {  	s5 =	sshll.u32 s26, $0x1;
	_ =	strace $0x80000046;
	[dreg:$0x1] =	wrdreg $0xFFFFFFFF  }
0xa8: {  	s28 =	simm.s32 $_size_execute0_lowered;
	s4 =	sadd.s32 s4, s5;
	[dreg:$0x0] =	wrdreg $0x0  }
0xa9: {  	s5 =	sshll.u32 s28, $0x1;
	[dreg:$0x2] =	wrdreg s4  }
0xaa: {  	[dreg:$0x3] =	wrdreg s5  }
0xab: {  	[dreg:$0x4] =	wrdreg $0xC0  }
0xac: {  	_ =	task [dreg:s8], $0x5FFFF  }
0xad: {  	[dreg:$0x1] =	wrdreg $0xFFFFFFFF  }
0xae: {  	[dreg:$0x0] =	wrdreg $0x60  }
0xaf: {  	[dreg:$0x2] =	wrdreg s2  }
0xb0: {  	[dreg:$0x3] =	wrdreg s19  }
0xb1: {  	[dreg:$0x4] =	wrdreg $0x9  }
0xb2: {  	_ =	task.clear_ibuf [dreg:s8], $0x5FFFF;
	_ =	strace $0x90000046  }
0xb3: {  	s29 =	simm.s32 $0x9;
	_ =	strace $0x80000048  }
0xb4: {  	_ =	swait.ge [sflag:s29], $0x1  }
0xb5: {  	[sflag:s29] =	ssyncadd.s32 $0xFFFFFFFF  }
0xb6: {  	_ =	strace $0x90000048  }
0xb7: {  	_ =	sfence  }
0xb8: {  	s30 =	sld [smem:$0x0];
	_ =	sdelay $0x2  }
0xb9: {  	s31 =	sshll.u32 s1, $0xD;
	s1 =	sshrl.u32 s1, $0x2  }
0xba: {  	s3 =	sand.u32 $0x4000, s31;
	s1 =	sadd.s32 s1, s30  }
0xbb: {  	s0 =	sor.u32 s3, s0;
	s1 =	sshll.u32 s1, $0x11  }
0xbc: {  	s0 =	sor.u32 s1, s0  }
0xbd: {  	s0 =	sadd.s32 $0x8F2B, s0  }
0xbe: {  	[sflag:s0] =	ssyncadd.remote.s32 $0x1  }
0xbf: {  	_ =	sfence.sel $0xFFFF  }
0xc0: {  	[dreg:$0x0] =	wrdreg $0xFFFFFFFF;
	(pc) =	sbr.abs _section_cstart, $3  }
0xc1: {  	[dreg:$0x1] =	wrdreg $0xFFFFFFFF  }
0xc2: {  	_ =	task.clear_ibuf [dreg:s8], $0x2FFFF;
	_ =	strace $0x9FFFFFFF  }
0xc3: {  	(tm) =	ssettm $0x7FFFFFFF  }
tec
execute0_lowered:
.L_overlay_start_1:
0x0: {  	(tag) =	ssettag $0x1  }
0x1: {  	s0 =	stileid.u32;
	s1 =	srdreg.scid  }
0x2: {  	s5 =	rddreg [dreg:$0x0];
	s11 =	simm.s32 $0x2000;
	s14 =	simm.s32 $0x1C00  }
0x3: {  	s15 =	simm.s32 $0x9C00;
	s16 =	simm.s32 $0x2;
	s17 =	simm.s32 $0x0  }
0x4: {  	s2 =	sshll.u32 s0, $0x1;
	s4 =	sand.u32 $0x1, s1;
	s1 =	rddreg [dreg:$0x2]  }
0x5: {  	s6 =	sshll.u32 s0, $0x9;
	s30 =	sand.u32 $0x2, s2;
	s2 =	rddreg [dreg:$0x1]  }
0x6: {  	s6 =	sand.u32 $0x1C00, s6;
	s8 =	ssub.s32 $0x2, s4;
	s3 =	sor.u32 s4, s30  }
0x7: {  	p0 =	seq.s32 s3, $0x3;
	s12 =	sshll.u32 s3, $0x8;
	s3 =	simm.s32 $0x0  }
0x8: {  	s31 =	sshrl.u32 s8, $0x1;
	s12 =	simm.s32 @p0 $0x2E8;
	[smem:$0x7FF] =	sst s3  }
0x9: {  	s10 =	ssub.s32 s8, s31;
	s7 =	sshll.u32 s12, $0xA;
	_ =	strace $0x80000047  }
0xa: {  	s13 =	sadd.s32 $0x100, s12;
	s4 =	sor.u32 s6, s7;
	s6 =	sshrl.u32 s6, $0x3  }
0xb: {  	v0 =	vmov s12;
	s12 =	simm.s32 $0x1800;
	s9 =	sshrl.u32 s4, $0x3;
	s5 =	sadd.s32 s5, s6  }
0xc: {  	v1 =	vmov s13;
	s13 =	simm.s32 $0x1;
	s6 =	sadd.s32 s2, s9;
	s7 =	sadd.s32 $0x1800, s5  }
0xd: {  	v2 =	vimm.f32 $0.0e+00;
	v3 =	vlaneseq.u32;
	v4 =	vimm.f32 $1.000000000e+00;
	s9 =	smax.u32 s10, $0x1;
	s10 =	simm.s32 $0x400;
	s8 =	sadd.s32 $0x1F400, s6  }
.LBB2_1:
0xe: {  	[tilespmem:s3], [sflag:$0x1] =	stream.strided.gather [hbm4b:s5+s10], $0x1800, s11, s10, $0x38;
	[tilespmem:$0x11C00] =	vst v63  }
0xf: {  	s18 =	simm.s32 $0x0;
	s19 =	simm.s32 $0x400  }
0x10: {  	[tilespmem:s12], [sflag:$0x1] =	stream.linear.gather [hbm4b:s7+s3], $0x100, $0x38;
	[tilespmem:$0x11C00] =	vst v63  }
.LBB2_2:
0x11: {  	p0 =	sne.s32 s19, $0x1FC00;
	[tilespmem:s18+$0x1CF0] =	vst v2  }
0x12: {  	[tilespmem:s18+$0x1C00] =	vst v2  }
0x13: {  	[tilespmem:s18+$0x1C10] =	vst v2  }
0x14: {  	[tilespmem:s18+$0x1C20] =	vst v2  }
0x15: {  	[tilespmem:s18+$0x1C30] =	vst v2  }
0x16: {  	[tilespmem:s18+$0x1C40] =	vst v2  }
0x17: {  	[tilespmem:s18+$0x1C50] =	vst v2  }
0x18: {  	[tilespmem:s18+$0x1C60] =	vst v2  }
0x19: {  	[tilespmem:s18+$0x1C70] =	vst v2  }
0x1a: {  	[tilespmem:s18+$0x1C80] =	vst v2  }
0x1b: {  	[tilespmem:s18+$0x1C90] =	vst v2  }
.Ltmp0:
0x1c: {  	[tilespmem:s18+$0x1CA0] =	vst v2;
	(pc) =	sbr.rel @p0 .LBB2_2-.Ltmp0, $4  }
0x1d: {  	[tilespmem:s18+$0x1CB0] =	vst v2  }
0x1e: {  	[tilespmem:s18+$0x1CC0] =	vst v2  }
0x1f: {  	[tilespmem:s18+$0x1CD0] =	vst v2  }
0x20: {  	[tilespmem:s18+$0x1CE0] =	vst v2;
	s18 =	sshra.s32 s19, $0x2;
	s19 =	sadd.s32 $0x400, s19  }
0x21: {  	[tilespmem:s18+$0x1CF0] =	vst v2  }
0x22: {  	[tilespmem:s18+$0x1C00] =	vst v2  }
0x23: {  	[tilespmem:s18+$0x1C10] =	vst v2  }
0x24: {  	[tilespmem:s18+$0x1C20] =	vst v2  }
0x25: {  	[tilespmem:s18+$0x1C30] =	vst v2  }
0x26: {  	[tilespmem:s18+$0x1C40] =	vst v2  }
0x27: {  	[tilespmem:s18+$0x1C50] =	vst v2  }
0x28: {  	[tilespmem:s18+$0x1C60] =	vst v2  }
0x29: {  	[tilespmem:s18+$0x1C70] =	vst v2  }
0x2a: {  	[tilespmem:s18+$0x1C80] =	vst v2  }
0x2b: {  	[tilespmem:s18+$0x1C90] =	vst v2  }
0x2c: {  	[tilespmem:s18+$0x1CA0] =	vst v2  }
0x2d: {  	[tilespmem:s18+$0x1CB0] =	vst v2  }
0x2e: {  	[tilespmem:s18+$0x1CC0] =	vst v2  }
0x2f: {  	[tilespmem:s18+$0x1CD0] =	vst v2  }
0x30: {  	[tilespmem:s18+$0x1CE0] =	vst v2  }
0x31: {  	_ =	swait.ge [sflag:s13], $0x1900  }
0x32: {  	[sflag:s13] =	ssyncset.done $0x0  }
0x33: {  	s18 =	simm.s32 $0x0;
	[sflag:s13] =	ssyncadd.s32 $0xFFFFE700  }
0x34: {  	s19 =	simm.s32 $0x10;
	s20 =	simm.s32 $0x0;
	v5 =	vld [tilespmem:s18+$0x0]  }
.LBB2_4:
0x35: {  	p0 =	sne.s32 s19, $0x70;
	_ =	sdelay $0x3  }
0x36: {  	v6 =	vsub.s32 v5, v0  }
0x37: {  	vm0 =	vge.s32 v5, v0;
	vm1 =	vlt.s32 v5, v1;
	v5 =	vshll.u32 v6, $0x7  }
0x38: {  	vm0 =	vmand vm0, vm1;
	v5 =	vadd.s32 s18, v5;
	s18 =	smov.u32 s19  }
0x39: {  	v5 =	vadd.s32 v3, v5;
	_ =	sdelay $0x1  }
.Ltmp1:
0x3a: {  	(pc) =	sbr.rel @p0 .LBB2_4-.Ltmp1, $3  }
0x3b: {  	_ =	sdelay $0x1  }
0x3c: {  	s20 =	sadd.s32 $0x10, s20;
	[tilespmem:v5+s14+$0x0] =	vst.idx.msk vm0, v4  }
0x3d: {  	s19 =	sadd.s32 $0x10, s19;
	v5 =	vld [tilespmem:s20+$0x0]  }
0x3e: {  	_ =	sdelay $0x3  }
0x3f: {  	v6 =	vsub.s32 v5, v0  }
0x40: {  	vm0 =	vge.s32 v5, v0;
	vm1 =	vlt.s32 v5, v1;
	v5 =	vshll.u32 v6, $0x7  }
0x41: {  	vm0 =	vmand vm0, vm1;
	v5 =	vadd.s32 s18, v5  }
0x42: {  	v5 =	vadd.s32 v3, v5;
	_ =	sdelay $0x4  }
0x43: {  	s19 =	simm.s32 $0x0;
	s20 =	simm.s32 $0x400;
	s18 =	simm.s32 $0x0;
	[tilespmem:v5+s14+$0x0] =	vst.idx.msk vm0, v4  }
0x44: {  	[hbm4b:s6+s10] =	stream.strided.scatter [tilespmem:s14], [sflag:$0x1], $0x8000, s11, s10, $0x38;
	[tilespmem:$0x11C00] =	vst v63  }
.LBB2_6:
0x45: {  	p0 =	sne.s32 s20, $0x1FC00;
	[tilespmem:s19+$0x9CF0] =	vst v2  }
0x46: {  	[tilespmem:s19+$0x9C00] =	vst v2  }
0x47: {  	[tilespmem:s19+$0x9C10] =	vst v2  }
0x48: {  	[tilespmem:s19+$0x9C20] =	vst v2  }
0x49: {  	[tilespmem:s19+$0x9C30] =	vst v2  }
0x4a: {  	[tilespmem:s19+$0x9C40] =	vst v2  }
0x4b: {  	[tilespmem:s19+$0x9C50] =	vst v2  }
0x4c: {  	[tilespmem:s19+$0x9C60] =	vst v2  }
0x4d: {  	[tilespmem:s19+$0x9C70] =	vst v2  }
0x4e: {  	[tilespmem:s19+$0x9C80] =	vst v2  }
0x4f: {  	[tilespmem:s19+$0x9C90] =	vst v2  }
.Ltmp2:
0x50: {  	[tilespmem:s19+$0x9CA0] =	vst v2;
	(pc) =	sbr.rel @p0 .LBB2_6-.Ltmp2, $4  }
0x51: {  	[tilespmem:s19+$0x9CB0] =	vst v2  }
0x52: {  	[tilespmem:s19+$0x9CC0] =	vst v2  }
0x53: {  	[tilespmem:s19+$0x9CD0] =	vst v2  }
0x54: {  	[tilespmem:s19+$0x9CE0] =	vst v2;
	s19 =	sshra.s32 s20, $0x2;
	s20 =	sadd.s32 $0x400, s20  }
0x55: {  	[tilespmem:s19+$0x9CF0] =	vst v2  }
0x56: {  	[tilespmem:s19+$0x9C00] =	vst v2  }
0x57: {  	[tilespmem:s19+$0x9C10] =	vst v2  }
0x58: {  	[tilespmem:s19+$0x9C20] =	vst v2  }
0x59: {  	[tilespmem:s19+$0x9C30] =	vst v2  }
0x5a: {  	[tilespmem:s19+$0x9C40] =	vst v2  }
0x5b: {  	[tilespmem:s19+$0x9C50] =	vst v2  }
0x5c: {  	[tilespmem:s19+$0x9C60] =	vst v2  }
0x5d: {  	[tilespmem:s19+$0x9C70] =	vst v2  }
0x5e: {  	[tilespmem:s19+$0x9C80] =	vst v2  }
0x5f: {  	[tilespmem:s19+$0x9C90] =	vst v2  }
0x60: {  	[tilespmem:s19+$0x9CA0] =	vst v2  }
0x61: {  	[tilespmem:s19+$0x9CB0] =	vst v2  }
0x62: {  	[tilespmem:s19+$0x9CC0] =	vst v2  }
0x63: {  	[tilespmem:s19+$0x9CD0] =	vst v2  }
0x64: {  	[tilespmem:s19+$0x9CE0] =	vst v2;
	s19 =	simm.s32 $0x80  }
0x65: {  	s20 =	simm.s32 $0x10;
	v5 =	vld [tilespmem:s19+$0x0]  }
.LBB2_8:
0x66: {  	p0 =	sne.s32 s20, $0x70;
	_ =	sdelay $0x3  }
0x67: {  	v6 =	vsub.s32 v5, v0  }
0x68: {  	vm0 =	vge.s32 v5, v0;
	vm1 =	vlt.s32 v5, v1;
	v5 =	vshll.u32 v6, $0x7  }
0x69: {  	vm0 =	vmand vm0, vm1;
	v5 =	vadd.s32 s18, v5;
	s18 =	smov.u32 s20  }
0x6a: {  	v5 =	vadd.s32 v3, v5;
	_ =	sdelay $0x1  }
.Ltmp3:
0x6b: {  	(pc) =	sbr.rel @p0 .LBB2_8-.Ltmp3, $3  }
0x6c: {  	_ =	sdelay $0x1  }
0x6d: {  	s19 =	sadd.s32 $0x10, s19;
	[tilespmem:v5+s15+$0x0] =	vst.idx.msk vm0, v4  }
0x6e: {  	s20 =	sadd.s32 $0x10, s20;
	v5 =	vld [tilespmem:s19+$0x0]  }
0x6f: {  	_ =	sdelay $0x3  }
0x70: {  	v6 =	vsub.s32 v5, v0  }
0x71: {  	vm0 =	vge.s32 v5, v0;
	vm1 =	vlt.s32 v5, v1;
	v5 =	vshll.u32 v6, $0x7  }
0x72: {  	vm0 =	vmand vm0, vm1;
	v5 =	vadd.s32 s18, v5  }
0x73: {  	v5 =	vadd.s32 v3, v5;
	_ =	sdelay $0x3  }
0x74: {  	s19 =	simm.s32 $0x0;
	s20 =	simm.s32 $0x100  }
0x75: {  	s21 =	simm.s32 $0x80;
	s22 =	simm.s32 $0x180;
	s18 =	simm.s32 $0x1;
	[tilespmem:v5+s15+$0x0] =	vst.idx.msk vm0, v4  }
0x76: {  	[hbm4b:s8+s10] =	stream.strided.scatter [tilespmem:s15], [sflag:$0x2], $0x8000, s11, s10, $0x38;
	[tilespmem:$0x11C00] =	vst v63  }
.LBB2_10:
0x77: {  	_ =	swait.ge [sflag:s13], $0x8000  }
0x78: {  	[sflag:s13] =	ssyncset.done $0x0  }
0x79: {  	s23 =	smov.u32 s19;
	s24 =	simm.s32 $0x0;
	[sflag:s13] =	ssyncadd.s32 $0xFFFF8000  }
.LBB2_11:
0x7a: {  	v5 =	vld [tilespmem:s23+$0x0];
	_ =	sdelay $0x4  }
0x7b: {  	v6 =	vsub.s32 v5, v0  }
0x7c: {  	vm0 =	vge.s32 v5, v0;
	vm1 =	vlt.s32 v5, v1;
	v5 =	vshll.u32 v6, $0x7  }
0x7d: {  	vm0 =	vmand vm0, vm1;
	v5 =	vadd.s32 s24, v5  }
0x7e: {  	p0 =	sne.s32 s24, $0x70;
	v5 =	vadd.s32 v3, v5  }
.Ltmp4:
0x7f: {  	_ = 	snop;
	(pc) =	sbr.rel @p0 .LBB2_11-.Ltmp4, $2  }
0x80: {  	_ =	sdelay $0x2  }
0x81: {  	s23 =	sadd.s32 $0x10, s23;
	s24 =	sadd.s32 $0x10, s24;
	[tilespmem:v5+s14+$0x0] =	vst.idx.msk vm0, v2  }
0x82: {  	s23 =	simm.s32 $0x0;
	v5 =	vld [tilespmem:s20+$0x0];
	s24 =	simm.s32 $0x10;
	s25 =	smov.u32 s20  }
.LBB2_13:
0x83: {  	p0 =	sne.s32 s24, $0x70;
	_ =	sdelay $0x3  }
0x84: {  	v6 =	vsub.s32 v5, v0  }
0x85: {  	vm0 =	vge.s32 v5, v0;
	vm1 =	vlt.s32 v5, v1;
	v5 =	vshll.u32 v6, $0x7  }
0x86: {  	vm0 =	vmand vm0, vm1;
	v5 =	vadd.s32 s23, v5;
	s23 =	smov.u32 s24  }
0x87: {  	v5 =	vadd.s32 v3, v5;
	_ =	sdelay $0x1  }
.Ltmp5:
0x88: {  	(pc) =	sbr.rel @p0 .LBB2_13-.Ltmp5, $3  }
0x89: {  	_ =	sdelay $0x1  }
0x8a: {  	s25 =	sadd.s32 $0x10, s25;
	[tilespmem:v5+s14+$0x0] =	vst.idx.msk vm0, v4  }
0x8b: {  	s24 =	sadd.s32 $0x10, s24;
	v5 =	vld [tilespmem:s25+$0x0]  }
0x8c: {  	_ =	sdelay $0x3  }
0x8d: {  	v6 =	vsub.s32 v5, v0  }
0x8e: {  	vm0 =	vge.s32 v5, v0;
	vm1 =	vlt.s32 v5, v1;
	v5 =	vshll.u32 v6, $0x7  }
0x8f: {  	vm0 =	vmand vm0, vm1;
	v5 =	vadd.s32 s23, v5  }
0x90: {  	v5 =	vadd.s32 v3, v5  }
0x91: {  	s31 =	smul.u32 $0x1F4000, s18;
	_ =	sdelay $0x1  }
0x92: {  	s23 =	sadd.s32 s4, s31  }
0x93: {  	s23 =	sshrl.u32 s23, $0x3  }
0x94: {  	s23 =	sadd.s32 s2, s23;
	[tilespmem:v5+s14+$0x0] =	vst.idx.msk vm0, v4  }
0x95: {  	[hbm4b:s23+s10] =	stream.strided.scatter [tilespmem:s14], [sflag:$0x1], $0x8000, s11, s10, $0x38;
	[tilespmem:$0x11C00] =	vst v63  }
0x96: {  	_ =	swait.ge [sflag:s16], $0x8000  }
0x97: {  	[sflag:s16] =	ssyncset.done $0x0  }
0x98: {  	[sflag:s16] =	ssyncadd.s32 $0xFFFF8000  }
0x99: {  	s24 =	simm.s32 $0x10;
	s25 =	smov.u32 s21;
	s23 =	simm.s32 $0x0;
	v5 =	vld [tilespmem:s21+$0x0]  }
.LBB2_15:
0x9a: {  	p0 =	seq.s32 s24, $0x70;
	_ =	sdelay $0x3  }
0x9b: {  	v6 =	vsub.s32 v5, v0  }
0x9c: {  	vm0 =	vge.s32 v5, v0;
	vm1 =	vlt.s32 v5, v1;
	v5 =	vshll.u32 v6, $0x7  }
0x9d: {  	vm0 =	vmand vm0, vm1;
	v5 =	vadd.s32 s23, v5;
	s23 =	smov.u32 s24  }
0x9e: {  	v5 =	vadd.s32 v3, v5;
	_ =	sdelay $0x1  }
.Ltmp6:
0x9f: {  	(pc) =	sbr.rel @!p0 .LBB2_15-.Ltmp6, $3  }
0xa0: {  	_ =	sdelay $0x1  }
0xa1: {  	s25 =	sadd.s32 $0x10, s25;
	[tilespmem:v5+s15+$0x0] =	vst.idx.msk vm0, v2  }
0xa2: {  	s24 =	sadd.s32 $0x10, s24;
	v5 =	vld [tilespmem:s25+$0x0]  }
0xa3: {  	_ =	sdelay $0x3  }
0xa4: {  	v6 =	vsub.s32 v5, v0  }
0xa5: {  	vm0 =	vge.s32 v5, v0;
	vm1 =	vlt.s32 v5, v1;
	v5 =	vshll.u32 v6, $0x7  }
0xa6: {  	vm0 =	vmand vm0, vm1;
	v5 =	vadd.s32 s23, v5  }
0xa7: {  	v5 =	vadd.s32 v3, v5;
	_ =	sdelay $0x4  }
0xa8: {  	s24 =	simm.s32 $0x0;
	[tilespmem:v5+s15+$0x0] =	vst.idx.msk vm0, v2  }
0xa9: {  	s25 =	simm.s32 $0x10;
	s26 =	smov.u32 s22;
	s23 =	sshllo.u32 s18, $0x1;
	v5 =	vld [tilespmem:s22+$0x0]  }
.LBB2_17:
0xaa: {  	p0 =	sne.s32 s25, $0x70;
	_ =	sdelay $0x3  }
0xab: {  	v6 =	vsub.s32 v5, v0  }
0xac: {  	vm0 =	vge.s32 v5, v0;
	vm1 =	vlt.s32 v5, v1;
	v5 =	vshll.u32 v6, $0x7  }
0xad: {  	vm0 =	vmand vm0, vm1;
	v5 =	vadd.s32 s24, v5;
	s24 =	smov.u32 s25  }
0xae: {  	v5 =	vadd.s32 v3, v5;
	_ =	sdelay $0x1  }
.Ltmp7:
0xaf: {  	(pc) =	sbr.rel @p0 .LBB2_17-.Ltmp7, $3  }
0xb0: {  	_ =	sdelay $0x1  }
0xb1: {  	s26 =	sadd.s32 $0x10, s26;
	[tilespmem:v5+s15+$0x0] =	vst.idx.msk vm0, v4  }
0xb2: {  	s25 =	sadd.s32 $0x10, s25;
	v5 =	vld [tilespmem:s26+$0x0]  }
0xb3: {  	_ =	sdelay $0x3  }
0xb4: {  	v6 =	vsub.s32 v5, v0  }
0xb5: {  	vm0 =	vge.s32 v5, v0;
	vm1 =	vlt.s32 v5, v1;
	v5 =	vshll.u32 v6, $0x7  }
0xb6: {  	vm0 =	vmand vm0, vm1;
	v5 =	vadd.s32 s24, v5  }
0xb7: {  	s18 =	sadd.s32 $0x1, s18;
	v5 =	vadd.s32 v3, v5  }
0xb8: {  	s23 =	smul.u32 $0xFA000, s23;
	p0 =	sne.s32 s18, $0x19  }
.Ltmp8:
0xb9: {  	_ = 	snop;
	(pc) =	sbr.rel @p0 .LBB2_10-.Ltmp8, $4  }
0xba: {  	s23 =	sadd.s32 s4, s23  }
0xbb: {  	s19 =	sadd.s32 $0x100, s19;
	s20 =	sadd.s32 $0x100, s20;
	s23 =	sshrl.u32 s23, $0x3  }
0xbc: {  	s21 =	sadd.s32 $0x100, s21;
	s22 =	sadd.s32 $0x100, s22;
	s23 =	sadd.s32 s2, s23;
	[tilespmem:v5+s15+$0x0] =	vst.idx.msk vm0, v4  }
0xbd: {  	[hbm4b:s23+s10] =	stream.strided.scatter [tilespmem:s15], [sflag:$0x2], $0x8000, s11, s10, $0x38;
	[tilespmem:$0x11C00] =	vst v63  }
0xbe: {  	s17 =	sadd.s32 $0x1, s17  }
0xbf: {  	_ =	swait.ge [sflag:s13], $0x8000;
	p0 =	sne.s32 s17, s9  }
.Ltmp9:
0xc0: {  	[sflag:s13] =	ssyncset.done $0x0;
	(pc) =	sbr.rel @p0 .LBB2_1-.Ltmp9, $4  }
0xc1: {  	[sflag:s13] =	ssyncadd.s32 $0xFFFF8000  }
0xc2: {  	_ =	swait.ge [sflag:s16], $0x8000  }
0xc3: {  	[sflag:s16] =	ssyncset.done $0x0  }
0xc4: {  	[sflag:s16] =	ssyncadd.s32 $0xFFFF8000  }
0xc5: {  	_ =	sfence.sel $0x180000  }
0xc6: {  	[bflag:$0x0] =	sbarrier.arrive $0xFFFF  }
0xc7: {  	p0 =	sne.s32 s0, $0x0;
	_ =	strace $0x90000047  }
0xc8: {  	s0 =	sadd.s32 @!p0 $0x100000, s1;
	[bflag:$0x2] =	sbarrier.arrive $0xFFFF  }
0xc9: {  	[sflag:s0] =	ssyncadd.tile.s32 @!p0 $0x1;
	_ =	shalt  }
.Lfunc_end2:
_tile_overlayer_lowered:
.L_overlay_start_2:
0xca: {  	(tag) =	ssettag $0x2  }
0xcb: {  	s0 =	rddreg [dreg:$0x0];
	s2 =	stileid.u32  }
0xcc: {  	s1 =	rddreg [dreg:$0x1];
	p0 =	sne.s32 s2, $0x0  }
0xcd: {  	s3 =	rddreg [dreg:$0x2];
	[bflag:$0x3] =	sbarrier.arrive $0xFFFF;
	s2 =	simm.s32 @!p0 $0x1C03  }
0xce: {  	[timem:s3], [sflag:s2] =	dma.local @!p0 [hbm:s0], s1  }
0xcf: {  	s0 =	simm.s32 @!p0 $0x3  }
0xd0: {  	_ =	swait.ge @!p0 [sflag:s0], s1  }
0xd1: {  	s1 =	ssub.s32 @!p0 $0x0, s1;
	[sflag:s0] =	ssyncset.done @!p0 $0x0  }
0xd2: {  	[sflag:s0] =	ssyncadd.s32 @!p0 s1  }
0xd3: {  	[bflag:$0x3] =	sbarrier.arrive $0xFFFF  }
0xd4: {  	_ =	shalt  }

</sc_bundles>
